<compile_context>
chip_gen: v7x
topology: tpu7x:2x2x1
jax: 0.10.2.dev20260603
libtpu: 0.0.44.dev20260713+nightly
codegen_flags: <defaults>
</compile_context>

<pallas_src>
import functools

import jax
import jax.numpy as jnp
from jax import lax
from jax.experimental import pallas as pl
from jax.experimental.pallas import tpu as pltpu
from jax.experimental.pallas import tpu_sc as plsc

B, H, D = 16384, 200, 64
DP = 128
N = B * H
NC, NS = 2, 16
NW = NC * NS
PIECES = 1
NP = N // PIECES
PER_W = NP // NW
CHUNK = 200
NPAIR = PER_W // (2 * CHUNK)


def _gather_sc(idx_flat, table_pad):
    mesh = plsc.VectorSubcoreMesh(core_axis_name="c", subcore_axis_name="s")

    @functools.partial(
        pl.kernel,
        out_type=jax.ShapeDtypeStruct((NP, D), jnp.float32),
        mesh=mesh,
        scratch_types=[
            pltpu.VMEM((CHUNK,), jnp.int32),
            pltpu.VMEM((CHUNK,), jnp.int32),
            pltpu.VMEM((CHUNK, DP), jnp.float32),
            pltpu.VMEM((CHUNK, DP), jnp.float32),
            pltpu.VMEM((CHUNK, D), jnp.float32),
            pltpu.VMEM((CHUNK, D), jnp.float32),
            pltpu.SemaphoreType.DMA,
            pltpu.SemaphoreType.DMA,
            pltpu.SemaphoreType.DMA,
            pltpu.SemaphoreType.DMA,
        ],
    )
    def k(idx_hbm, table_hbm, out_hbm,
          idx0, idx1, rows0, rows1, outv0, outv1, sg0, sg1, sw0, sw1):
        wid = lax.axis_index("s") * NC + lax.axis_index("c")
        base = wid * PER_W
        bufs = ((idx0, rows0, outv0, sg0, sw0),
                (idx1, rows1, outv1, sg1, sw1))

        def start_gather(c, j):
            idx_v, rows_v, _, sem_g, _ = bufs[j]
            off = base + c * CHUNK
            pltpu.sync_copy(idx_hbm.at[pl.ds(off, CHUNK)], idx_v)
            pltpu.async_copy(table_hbm.at[idx_v], rows_v, sem_g)

        def wait_gather(j):
            idx_v, rows_v, _, sem_g, _ = bufs[j]
            pltpu.make_async_copy(table_hbm.at[idx_v], rows_v, sem_g).wait()

        def compact(j):
            rows_v, out_v = bufs[j][1], bufs[j][2]

            def row4(r4, carry):
                for u in range(4):
                    r = r4 * 4 + u
                    for c in range(D // 16):
                        out_v[r, pl.ds(c * 16, 16)] = (
                            rows_v[r, pl.ds(c * 16, 16)])
                return carry
            lax.fori_loop(0, CHUNK // 4, row4, 0)

        def start_write(c, j):
            out_v, sem_w = bufs[j][2], bufs[j][4]
            off = base + c * CHUNK
            pltpu.async_copy(out_v, out_hbm.at[pl.ds(off, CHUNK)], sem_w)

        def wait_write(c, j):
            out_v, sem_w = bufs[j][2], bufs[j][4]
            off = base + c * CHUNK
            pltpu.make_async_copy(out_v, out_hbm.at[pl.ds(off, CHUNK)],
                                  sem_w).wait()

        start_gather(0, 0)

        def pair(i2, carry):
            c0 = 2 * i2
            c1 = c0 + 1
            start_gather(c1, 1)
            wait_gather(0)

            @pl.when(i2 > 0)
            def _():
                wait_write(c0 - 2, 0)

            compact(0)
            start_write(c0, 0)

            @pl.when(i2 + 1 < NPAIR)
            def _():
                start_gather(c0 + 2, 0)

            wait_gather(1)

            @pl.when(i2 > 0)
            def _():
                wait_write(c1 - 2, 1)

            compact(1)
            start_write(c1, 1)
            return carry

        lax.fori_loop(0, NPAIR, pair, 0)
        wait_write(2 * NPAIR - 2, 0)
        wait_write(2 * NPAIR - 1, 1)

    return k(idx_flat, table_pad)


def kernel(fingerprints, embed_weight):
    idx_flat = fingerprints.reshape(N)
    table_pad = jnp.pad(embed_weight, ((0, 0), (0, DP - D)))
    pieces = [
        _gather_sc(lax.slice(idx_flat, (p * NP,), ((p + 1) * NP,)), table_pad)
        .reshape(B // PIECES, H, D)
        for p in range(PIECES)
    ]
    return jnp.concatenate(pieces, axis=0)

# --- scband reference (transcript-rebuilt; emitter-appended) ---
"""Pipeline reference for scband-atom-embedding-35261681500388 (READ-ONLY COPY).

The authoritative reference and input builder live on the scoring server;
editing this copy changes nothing except your own understanding.
"""

import jax, jax.numpy as jnp
import numpy as np

N_FINGERDICT = 1000000
FEATURE_DIM = 64
BATCH = 16384
HIST_LEN = 200

def setup_inputs(seed: int = 0) -> dict:
    key = jax.random.key(seed)
    k1, k2 = jax.random.split(key)
    fingerprints = jax.random.randint(k1, (BATCH, HIST_LEN), 0, N_FINGERDICT, dtype=jnp.int64 if jax.config.jax_enable_x64 else jnp.int32).astype(jnp.int32)
    # nn.Embedding default init: N(0, 1)
    embed_weight = jax.random.normal(k2, (N_FINGERDICT, FEATURE_DIM), dtype=jnp.float32)
    return {"fingerprints": fingerprints, "embed_weight": embed_weight}

def reference(fingerprints, embed_weight):
    # x_atoms = self.embed(fingerprints)
    x_atoms = jnp.take(embed_weight, fingerprints, axis=0)
    return x_atoms

if __name__ == "__main__":
    import jax
    _d = setup_inputs()
    print(jax.jit(kernel)(*tuple(_d.values())))

</pallas_src>

<mosaic_0001>
#map = affine_map<(d0, d1) -> (0)>
#map1 = affine_map<(d0, d1) -> (0, 0)>
module attributes {stable_mosaic.version = 14 : i64} {
  func.func @k(%arg0: i32, %arg1: i32, %arg2: memref<3276800xi32, #tpu.memory_space<hbm>>, %arg3: memref<1000000x128xf32, #tpu.memory_space<hbm>>, %arg4: memref<3276800x64xf32, #tpu.memory_space<hbm>>, %arg5: memref<200xi32, #tpu.memory_space<vmem>>, %arg6: memref<200xi32, #tpu.memory_space<vmem>>, %arg7: memref<200x128xf32, #tpu.memory_space<vmem>>, %arg8: memref<200x128xf32, #tpu.memory_space<vmem>>, %arg9: memref<200x64xf32, #tpu.memory_space<vmem>>, %arg10: memref<200x64xf32, #tpu.memory_space<vmem>>, %arg11: memref<!tpu.dma_semaphore, #tpu.memory_space<semaphore_mem>>, %arg12: memref<!tpu.dma_semaphore, #tpu.memory_space<semaphore_mem>>, %arg13: memref<!tpu.dma_semaphore, #tpu.memory_space<semaphore_mem>>, %arg14: memref<!tpu.dma_semaphore, #tpu.memory_space<semaphore_mem>>) attributes {dimension_semantics = [#tpu.dimension_semantics<core_parallel>, #tpu.dimension_semantics<subcore_parallel>], iteration_bounds = array<i64: 2, 16>, scalar_prefetch = 0 : i64, scratch_operands = 10 : i64, tpu.core_type = #tpu.core_type<sc_vector_subcore>, window_params = [{transform_indices = #map}, {transform_indices = #map1}, {transform_indices = #map1}]} {
    %mul3A = arith.constant 2 : i32
    %mul3A_0 = arith.muli %arg1, %mul3A : i32
    %add3A = arith.addi %mul3A_0, %arg0 : i32
    %mul3A_1 = arith.constant 102400 : i32
    %mul3A_2 = arith.muli %add3A, %mul3A_1 : i32
    %add3A_3 = arith.constant 0 : i32
    %add3A_4 = arith.addi %mul3A_2, %add3A_3 : i32
    "tpu.region"() ({
      %run_scoped3A = tpu.sem_alloc : memref<!tpu.dma_semaphore, #tpu.memory_space<semaphore_mem>>
      %dma_start3A_23 = tpu.memref_slice %arg2[%add3A_4] : memref<3276800xi32, #tpu.memory_space<hbm>> -> memref<200xi32, #tpu.memory_space<hbm>>
      %dma_start3A_24 = tpu.memref_slice %arg2[%add3A_4] : memref<3276800xi32, #tpu.memory_space<hbm>> -> memref<200xi32, #tpu.memory_space<hbm>>
      tpu.enqueue_dma source(%dma_start3A_24 : memref<200xi32, #tpu.memory_space<hbm>>) target(%arg5 : memref<200xi32, #tpu.memory_space<vmem>>) target_semaphore(%run_scoped3A : memref<!tpu.dma_semaphore, #tpu.memory_space<semaphore_mem>>)
      %dma_wait3A_25 = tpu.memref_slice %arg2[%add3A_4] : memref<3276800xi32, #tpu.memory_space<hbm>> -> memref<200xi32, #tpu.memory_space<hbm>>
      %dma_wait3A_26 = tpu.memref_slice %arg2[%add3A_4] : memref<3276800xi32, #tpu.memory_space<hbm>> -> memref<200xi32, #tpu.memory_space<hbm>>
      tpu.wait_dma2 semaphore(%run_scoped3A : memref<!tpu.dma_semaphore, #tpu.memory_space<semaphore_mem>>) src(%dma_wait3A_26 : memref<200xi32, #tpu.memory_space<hbm>>) dst(%arg5 : memref<200xi32, #tpu.memory_space<vmem>>)
      tpu.yield
    }) : () -> ()
    %dma_start3A = arith.constant 0 : i32
    %dma_start3A_5 = arith.constant 0 : i32
    %dma_start3A_6 = tpu.memref_slice %arg3[%dma_start3A, %dma_start3A_5] : memref<1000000x128xf32, #tpu.memory_space<hbm>> -> memref<1000000x128xf32, #tpu.memory_space<hbm>>
    tpu.enqueue_indirect_dma source(%dma_start3A_6 : memref<1000000x128xf32, #tpu.memory_space<hbm>>) target(%arg7 : memref<200x128xf32, #tpu.memory_space<vmem>>) offsets(%arg5 : memref<200xi32, #tpu.memory_space<vmem>>) semaphore(%arg11 : memref<!tpu.dma_semaphore, #tpu.memory_space<semaphore_mem>>)
    %scan3A = arith.constant 0 : i32
    %scan3A_7 = arith.constant 0 : i32
    %scan3A_8 = arith.constant 256 : i32
    %scan3A_9 = arith.addi %scan3A_7, %scan3A_8 : i32
    %scan3A_10 = arith.constant 1 : i32
    scf.for %scan3A_23 = %scan3A_7 to %scan3A_9 step %scan3A_10  : i32 {
      %mul3A_24 = arith.constant 2 : i32
      %mul3A_25 = arith.muli %mul3A_24, %scan3A_23 : i32
      %add3A_26 = arith.constant 1 : i32
      %add3A_27 = arith.addi %mul3A_25, %add3A_26 : i32
      %mul3A_28 = arith.constant 200 : i32
      %mul3A_29 = arith.muli %add3A_27, %mul3A_28 : i32
      %add3A_30 = arith.addi %mul3A_2, %mul3A_29 : i32
      "tpu.region"() ({
        %run_scoped3A = tpu.sem_alloc : memref<!tpu.dma_semaphore, #tpu.memory_space<semaphore_mem>>
        %dma_start3A_79 = tpu.memref_slice %arg2[%add3A_30] : memref<3276800xi32, #tpu.memory_space<hbm>> -> memref<200xi32, #tpu.memory_space<hbm>>
        %dma_start3A_80 = tpu.memref_slice %arg2[%add3A_30] : memref<3276800xi32, #tpu.memory_space<hbm>> -> memref<200xi32, #tpu.memory_space<hbm>>
        tpu.enqueue_dma source(%dma_start3A_80 : memref<200xi32, #tpu.memory_space<hbm>>) target(%arg6 : memref<200xi32, #tpu.memory_space<vmem>>) target_semaphore(%run_scoped3A : memref<!tpu.dma_semaphore, #tpu.memory_space<semaphore_mem>>)
        %dma_wait3A_81 = tpu.memref_slice %arg2[%add3A_30] : memref<3276800xi32, #tpu.memory_space<hbm>> -> memref<200xi32, #tpu.memory_space<hbm>>
        %dma_wait3A_82 = tpu.memref_slice %arg2[%add3A_30] : memref<3276800xi32, #tpu.memory_space<hbm>> -> memref<200xi32, #tpu.memory_space<hbm>>
        tpu.wait_dma2 semaphore(%run_scoped3A : memref<!tpu.dma_semaphore, #tpu.memory_space<semaphore_mem>>) src(%dma_wait3A_82 : memref<200xi32, #tpu.memory_space<hbm>>) dst(%arg6 : memref<200xi32, #tpu.memory_space<vmem>>)
        tpu.yield
      }) : () -> ()
      %dma_start3A_31 = arith.constant 0 : i32
      %dma_start3A_32 = arith.constant 0 : i32
      %dma_start3A_33 = tpu.memref_slice %arg3[%dma_start3A_31, %dma_start3A_32] : memref<1000000x128xf32, #tpu.memory_space<hbm>> -> memref<1000000x128xf32, #tpu.memory_space<hbm>>
      tpu.enqueue_indirect_dma source(%dma_start3A_33 : memref<1000000x128xf32, #tpu.memory_space<hbm>>) target(%arg8 : memref<200x128xf32, #tpu.memory_space<vmem>>) offsets(%arg6 : memref<200xi32, #tpu.memory_space<vmem>>) semaphore(%arg12 : memref<!tpu.dma_semaphore, #tpu.memory_space<semaphore_mem>>)
      %dma_wait3A_34 = arith.constant 0 : i32
      %dma_wait3A_35 = arith.constant 0 : i32
      %dma_wait3A_36 = tpu.memref_slice %arg3[%dma_wait3A_34, %dma_wait3A_35] : memref<1000000x128xf32, #tpu.memory_space<hbm>> -> memref<1000000x128xf32, #tpu.memory_space<hbm>>
      tpu.wait_indirect_dma semaphore(%arg11 : memref<!tpu.dma_semaphore, #tpu.memory_space<semaphore_mem>>) src(%dma_wait3A_36 : memref<1000000x128xf32, #tpu.memory_space<hbm>>) dst(%arg7 : memref<200x128xf32, #tpu.memory_space<vmem>>)
      %gt3A = arith.constant 0 : i32
      %gt3A_37 = arith.cmpi sgt, %scan3A_23, %gt3A : i32
      %convert_element_type3A = arith.extui %gt3A_37 : i1 to i32
      %cond3A = arith.constant 0 : i32
      %cond3A_38 = arith.cmpi ne, %convert_element_type3A, %cond3A : i32
      scf.if %cond3A_38 {
        %sub3A = arith.constant 2 : i32
        %sub3A_79 = arith.subi %mul3A_25, %sub3A : i32
        %mul3A_80 = arith.constant 200 : i32
        %mul3A_81 = arith.muli %sub3A_79, %mul3A_80 : i32
        %add3A_82 = arith.addi %mul3A_2, %mul3A_81 : i32
        %dma_wait3A_83 = arith.constant 0 : i32
        %dma_wait3A_84 = tpu.memref_slice %arg4[%add3A_82, %dma_wait3A_83] : memref<3276800x64xf32, #tpu.memory_space<hbm>> -> memref<200x64xf32, #tpu.memory_space<hbm>>
        %dma_wait3A_85 = arith.constant 0 : i32
        %dma_wait3A_86 = tpu.memref_slice %arg4[%add3A_82, %dma_wait3A_85] : memref<3276800x64xf32, #tpu.memory_space<hbm>> -> memref<200x64xf32, #tpu.memory_space<hbm>>
        tpu.wait_dma2 semaphore(%arg13 : memref<!tpu.dma_semaphore, #tpu.memory_space<semaphore_mem>>) src(%arg9 : memref<200x64xf32, #tpu.memory_space<vmem>>) dst(%dma_wait3A_86 : memref<200x64xf32, #tpu.memory_space<hbm>>)
      } else {
      }
      %scan3A_39 = arith.constant 0 : i32
      %scan3A_40 = arith.constant 0 : i32
      %scan3A_41 = arith.constant 50 : i32
      %scan3A_42 = arith.addi %scan3A_40, %scan3A_41 : i32
      %scan3A_43 = arith.constant 1 : i32
      scf.for %scan3A_79 = %scan3A_40 to %scan3A_42 step %scan3A_43  : i32 {
        %mul3A_80 = arith.constant 4 : i32
        %mul3A_81 = arith.muli %scan3A_79, %mul3A_80 : i32
        %add3A_82 = arith.constant 0 : i32
        %add3A_83 = arith.addi %mul3A_81, %add3A_82 : i32
        %get3A = arith.index_cast %add3A_83 : i32 to index
        %get3A_84 = arith.constant 0 : index
        %get3A_85 = tpu.vector_load %arg7[%get3A, %get3A_84] {strides = array<i32>} : memref<200x128xf32, #tpu.memory_space<vmem>>, vector<1x16xf32>,
        %get3A_86 = vector.shape_cast %get3A_85 : vector<1x16xf32> to vector<16xf32>
        %swap3A = arith.index_cast %add3A_83 : i32 to index
        %swap3A_87 = arith.constant 0 : index
        %swap3A_88 = tpu.vector_load %arg9[%swap3A, %swap3A_87] {strides = array<i32>} : memref<200x64xf32, #tpu.memory_space<vmem>>, vector<1x16xf32>,
        %swap3A_89 = vector.shape_cast %swap3A_88 : vector<1x16xf32> to vector<16xf32>
        %swap3A_90 = vector.shape_cast %get3A_86 : vector<16xf32> to vector<1x16xf32>
        tpu.vector_store %arg9[%swap3A, %swap3A_87], %swap3A_90 {strides = array<i32>} : memref<200x64xf32, #tpu.memory_space<vmem>>, vector<1x16xf32>,
        %get3A_91 = arith.index_cast %add3A_83 : i32 to index
        %get3A_92 = arith.constant 16 : index
        %get3A_93 = tpu.vector_load %arg7[%get3A_91, %get3A_92] {strides = array<i32>} : memref<200x128xf32, #tpu.memory_space<vmem>>, vector<1x16xf32>,
        %get3A_94 = vector.shape_cast %get3A_93 : vector<1x16xf32> to vector<16xf32>
        %swap3A_95 = arith.index_cast %add3A_83 : i32 to index
        %swap3A_96 = arith.constant 16 : index
        %swap3A_97 = tpu.vector_load %arg9[%swap3A_95, %swap3A_96] {strides = array<i32>} : memref<200x64xf32, #tpu.memory_space<vmem>>, vector<1x16xf32>,
        %swap3A_98 = vector.shape_cast %swap3A_97 : vector<1x16xf32> to vector<16xf32>
        %swap3A_99 = vector.shape_cast %get3A_94 : vector<16xf32> to vector<1x16xf32>
        tpu.vector_store %arg9[%swap3A_95, %swap3A_96], %swap3A_99 {strides = array<i32>} : memref<200x64xf32, #tpu.memory_space<vmem>>, vector<1x16xf32>,
        %get3A_100 = arith.index_cast %add3A_83 : i32 to index
        %get3A_101 = arith.constant 32 : index
        %get3A_102 = tpu.vector_load %arg7[%get3A_100, %get3A_101] {strides = array<i32>} : memref<200x128xf32, #tpu.memory_space<vmem>>, vector<1x16xf32>,
        %get3A_103 = vector.shape_cast %get3A_102 : vector<1x16xf32> to vector<16xf32>
        %swap3A_104 = arith.index_cast %add3A_83 : i32 to index
        %swap3A_105 = arith.constant 32 : index
        %swap3A_106 = tpu.vector_load %arg9[%swap3A_104, %swap3A_105] {strides = array<i32>} : memref<200x64xf32, #tpu.memory_space<vmem>>, vector<1x16xf32>,
        %swap3A_107 = vector.shape_cast %swap3A_106 : vector<1x16xf32> to vector<16xf32>
        %swap3A_108 = vector.shape_cast %get3A_103 : vector<16xf32> to vector<1x16xf32>
        tpu.vector_store %arg9[%swap3A_104, %swap3A_105], %swap3A_108 {strides = array<i32>} : memref<200x64xf32, #tpu.memory_space<vmem>>, vector<1x16xf32>,
        %get3A_109 = arith.index_cast %add3A_83 : i32 to index
        %get3A_110 = arith.constant 48 : index
        %get3A_111 = tpu.vector_load %arg7[%get3A_109, %get3A_110] {strides = array<i32>} : memref<200x128xf32, #tpu.memory_space<vmem>>, vector<1x16xf32>,
        %get3A_112 = vector.shape_cast %get3A_111 : vector<1x16xf32> to vector<16xf32>
        %swap3A_113 = arith.index_cast %add3A_83 : i32 to index
        %swap3A_114 = arith.constant 48 : index
        %swap3A_115 = tpu.vector_load %arg9[%swap3A_113, %swap3A_114] {strides = array<i32>} : memref<200x64xf32, #tpu.memory_space<vmem>>, vector<1x16xf32>,
        %swap3A_116 = vector.shape_cast %swap3A_115 : vector<1x16xf32> to vector<16xf32>
        %swap3A_117 = vector.shape_cast %get3A_112 : vector<16xf32> to vector<1x16xf32>
        tpu.vector_store %arg9[%swap3A_113, %swap3A_114], %swap3A_117 {strides = array<i32>} : memref<200x64xf32, #tpu.memory_space<vmem>>, vector<1x16xf32>,
        %mul3A_118 = arith.constant 4 : i32
        %mul3A_119 = arith.muli %scan3A_79, %mul3A_118 : i32
        %add3A_120 = arith.constant 1 : i32
        %add3A_121 = arith.addi %mul3A_119, %add3A_120 : i32
        %get3A_122 = arith.index_cast %add3A_121 : i32 to index
        %get3A_123 = arith.constant 0 : index
        %get3A_124 = tpu.vector_load %arg7[%get3A_122, %get3A_123] {strides = array<i32>} : memref<200x128xf32, #tpu.memory_space<vmem>>, vector<1x16xf32>,
        %get3A_125 = vector.shape_cast %get3A_124 : vector<1x16xf32> to vector<16xf32>
        %swap3A_126 = arith.index_cast %add3A_121 : i32 to index
        %swap3A_127 = arith.constant 0 : index
        %swap3A_128 = tpu.vector_load %arg9[%swap3A_126, %swap3A_127] {strides = array<i32>} : memref<200x64xf32, #tpu.memory_space<vmem>>, vector<1x16xf32>,
        %swap3A_129 = vector.shape_cast %swap3A_128 : vector<1x16xf32> to vector<16xf32>
        %swap3A_130 = vector.shape_cast %get3A_125 : vector<16xf32> to vector<1x16xf32>
        tpu.vector_store %arg9[%swap3A_126, %swap3A_127], %swap3A_130 {strides = array<i32>} : memref<200x64xf32, #tpu.memory_space<vmem>>, vector<1x16xf32>,
        %get3A_131 = arith.index_cast %add3A_121 : i32 to index
        %get3A_132 = arith.constant 16 : index
        %get3A_133 = tpu.vector_load %arg7[%get3A_131, %get3A_132] {strides = array<i32>} : memref<200x128xf32, #tpu.memory_space<vmem>>, vector<1x16xf32>,
        %get3A_134 = vector.shape_cast %get3A_133 : vector<1x16xf32> to vector<16xf32>
        %swap3A_135 = arith.index_cast %add3A_121 : i32 to index
        %swap3A_136 = arith.constant 16 : index
        %swap3A_137 = tpu.vector_load %arg9[%swap3A_135, %swap3A_136] {strides = array<i32>} : memref<200x64xf32, #tpu.memory_space<vmem>>, vector<1x16xf32>,
        %swap3A_138 = vector.shape_cast %swap3A_137 : vector<1x16xf32> to vector<16xf32>
        %swap3A_139 = vector.shape_cast %get3A_134 : vector<16xf32> to vector<1x16xf32>
        tpu.vector_store %arg9[%swap3A_135, %swap3A_136], %swap3A_139 {strides = array<i32>} : memref<200x64xf32, #tpu.memory_space<vmem>>, vector<1x16xf32>,
        %get3A_140 = arith.index_cast %add3A_121 : i32 to index
        %get3A_141 = arith.constant 32 : index
        %get3A_142 = tpu.vector_load %arg7[%get3A_140, %get3A_141] {strides = array<i32>} : memref<200x128xf32, #tpu.memory_space<vmem>>, vector<1x16xf32>,
        %get3A_143 = vector.shape_cast %get3A_142 : vector<1x16xf32> to vector<16xf32>
        %swap3A_144 = arith.index_cast %add3A_121 : i32 to index
        %swap3A_145 = arith.constant 32 : index
        %swap3A_146 = tpu.vector_load %arg9[%swap3A_144, %swap3A_145] {strides = array<i32>} : memref<200x64xf32, #tpu.memory_space<vmem>>, vector<1x16xf32>,
        %swap3A_147 = vector.shape_cast %swap3A_146 : vector<1x16xf32> to vector<16xf32>
        %swap3A_148 = vector.shape_cast %get3A_143 : vector<16xf32> to vector<1x16xf32>
        tpu.vector_store %arg9[%swap3A_144, %swap3A_145], %swap3A_148 {strides = array<i32>} : memref<200x64xf32, #tpu.memory_space<vmem>>, vector<1x16xf32>,
        %get3A_149 = arith.index_cast %add3A_121 : i32 to index
        %get3A_150 = arith.constant 48 : index
        %get3A_151 = tpu.vector_load %arg7[%get3A_149, %get3A_150] {strides = array<i32>} : memref<200x128xf32, #tpu.memory_space<vmem>>, vector<1x16xf32>,
        %get3A_152 = vector.shape_cast %get3A_151 : vector<1x16xf32> to vector<16xf32>
        %swap3A_153 = arith.index_cast %add3A_121 : i32 to index
        %swap3A_154 = arith.constant 48 : index
        %swap3A_155 = tpu.vector_load %arg9[%swap3A_153, %swap3A_154] {strides = array<i32>} : memref<200x64xf32, #tpu.memory_space<vmem>>, vector<1x16xf32>,
        %swap3A_156 = vector.shape_cast %swap3A_155 : vector<1x16xf32> to vector<16xf32>
        %swap3A_157 = vector.shape_cast %get3A_152 : vector<16xf32> to vector<1x16xf32>
        tpu.vector_store %arg9[%swap3A_153, %swap3A_154], %swap3A_157 {strides = array<i32>} : memref<200x64xf32, #tpu.memory_space<vmem>>, vector<1x16xf32>,
        %mul3A_158 = arith.constant 4 : i32
        %mul3A_159 = arith.muli %scan3A_79, %mul3A_158 : i32
        %add3A_160 = arith.constant 2 : i32
        %add3A_161 = arith.addi %mul3A_159, %add3A_160 : i32
        %get3A_162 = arith.index_cast %add3A_161 : i32 to index
        %get3A_163 = arith.constant 0 : index
        %get3A_164 = tpu.vector_load %arg7[%get3A_162, %get3A_163] {strides = array<i32>} : memref<200x128xf32, #tpu.memory_space<vmem>>, vector<1x16xf32>,
        %get3A_165 = vector.shape_cast %get3A_164 : vector<1x16xf32> to vector<16xf32>
        %swap3A_166 = arith.index_cast %add3A_161 : i32 to index
        %swap3A_167 = arith.constant 0 : index
        %swap3A_168 = tpu.vector_load %arg9[%swap3A_166, %swap3A_167] {strides = array<i32>} : memref<200x64xf32, #tpu.memory_space<vmem>>, vector<1x16xf32>,
        %swap3A_169 = vector.shape_cast %swap3A_168 : vector<1x16xf32> to vector<16xf32>
        %swap3A_170 = vector.shape_cast %get3A_165 : vector<16xf32> to vector<1x16xf32>
        tpu.vector_store %arg9[%swap3A_166, %swap3A_167], %swap3A_170 {strides = array<i32>} : memref<200x64xf32, #tpu.memory_space<vmem>>, vector<1x16xf32>,
        %get3A_171 = arith.index_cast %add3A_161 : i32 to index
        %get3A_172 = arith.constant 16 : index
        %get3A_173 = tpu.vector_load %arg7[%get3A_171, %get3A_172] {strides = array<i32>} : memref<200x128xf32, #tpu.memory_space<vmem>>, vector<1x16xf32>,
        %get3A_174 = vector.shape_cast %get3A_173 : vector<1x16xf32> to vector<16xf32>
        %swap3A_175 = arith.index_cast %add3A_161 : i32 to index
        %swap3A_176 = arith.constant 16 : index
        %swap3A_177 = tpu.vector_load %arg9[%swap3A_175, %swap3A_176] {strides = array<i32>} : memref<200x64xf32, #tpu.memory_space<vmem>>, vector<1x16xf32>,
        %swap3A_178 = vector.shape_cast %swap3A_177 : vector<1x16xf32> to vector<16xf32>
        %swap3A_179 = vector.shape_cast %get3A_174 : vector<16xf32> to vector<1x16xf32>
        tpu.vector_store %arg9[%swap3A_175, %swap3A_176], %swap3A_179 {strides = array<i32>} : memref<200x64xf32, #tpu.memory_space<vmem>>, vector<1x16xf32>,
        %get3A_180 = arith.index_cast %add3A_161 : i32 to index
        %get3A_181 = arith.constant 32 : index
        %get3A_182 = tpu.vector_load %arg7[%get3A_180, %get3A_181] {strides = array<i32>} : memref<200x128xf32, #tpu.memory_space<vmem>>, vector<1x16xf32>,
        %get3A_183 = vector.shape_cast %get3A_182 : vector<1x16xf32> to vector<16xf32>
        %swap3A_184 = arith.index_cast %add3A_161 : i32 to index
        %swap3A_185 = arith.constant 32 : index
        %swap3A_186 = tpu.vector_load %arg9[%swap3A_184, %swap3A_185] {strides = array<i32>} : memref<200x64xf32, #tpu.memory_space<vmem>>, vector<1x16xf32>,
        %swap3A_187 = vector.shape_cast %swap3A_186 : vector<1x16xf32> to vector<16xf32>
        %swap3A_188 = vector.shape_cast %get3A_183 : vector<16xf32> to vector<1x16xf32>
        tpu.vector_store %arg9[%swap3A_184, %swap3A_185], %swap3A_188 {strides = array<i32>} : memref<200x64xf32, #tpu.memory_space<vmem>>, vector<1x16xf32>,
        %get3A_189 = arith.index_cast %add3A_161 : i32 to index
        %get3A_190 = arith.constant 48 : index
        %get3A_191 = tpu.vector_load %arg7[%get3A_189, %get3A_190] {strides = array<i32>} : memref<200x128xf32, #tpu.memory_space<vmem>>, vector<1x16xf32>,
        %get3A_192 = vector.shape_cast %get3A_191 : vector<1x16xf32> to vector<16xf32>
        %swap3A_193 = arith.index_cast %add3A_161 : i32 to index
        %swap3A_194 = arith.constant 48 : index
        %swap3A_195 = tpu.vector_load %arg9[%swap3A_193, %swap3A_194] {strides = array<i32>} : memref<200x64xf32, #tpu.memory_space<vmem>>, vector<1x16xf32>,
        %swap3A_196 = vector.shape_cast %swap3A_195 : vector<1x16xf32> to vector<16xf32>
        %swap3A_197 = vector.shape_cast %get3A_192 : vector<16xf32> to vector<1x16xf32>
        tpu.vector_store %arg9[%swap3A_193, %swap3A_194], %swap3A_197 {strides = array<i32>} : memref<200x64xf32, #tpu.memory_space<vmem>>, vector<1x16xf32>,
        %mul3A_198 = arith.constant 4 : i32
        %mul3A_199 = arith.muli %scan3A_79, %mul3A_198 : i32
        %add3A_200 = arith.constant 3 : i32
        %add3A_201 = arith.addi %mul3A_199, %add3A_200 : i32
        %get3A_202 = arith.index_cast %add3A_201 : i32 to index
        %get3A_203 = arith.constant 0 : index
        %get3A_204 = tpu.vector_load %arg7[%get3A_202, %get3A_203] {strides = array<i32>} : memref<200x128xf32, #tpu.memory_space<vmem>>, vector<1x16xf32>,
        %get3A_205 = vector.shape_cast %get3A_204 : vector<1x16xf32> to vector<16xf32>
        %swap3A_206 = arith.index_cast %add3A_201 : i32 to index
        %swap3A_207 = arith.constant 0 : index
        %swap3A_208 = tpu.vector_load %arg9[%swap3A_206, %swap3A_207] {strides = array<i32>} : memref<200x64xf32, #tpu.memory_space<vmem>>, vector<1x16xf32>,
        %swap3A_209 = vector.shape_cast %swap3A_208 : vector<1x16xf32> to vector<16xf32>
        %swap3A_210 = vector.shape_cast %get3A_205 : vector<16xf32> to vector<1x16xf32>
        tpu.vector_store %arg9[%swap3A_206, %swap3A_207], %swap3A_210 {strides = array<i32>} : memref<200x64xf32, #tpu.memory_space<vmem>>, vector<1x16xf32>,
        %get3A_211 = arith.index_cast %add3A_201 : i32 to index
        %get3A_212 = arith.constant 16 : index
        %get3A_213 = tpu.vector_load %arg7[%get3A_211, %get3A_212] {strides = array<i32>} : memref<200x128xf32, #tpu.memory_space<vmem>>, vector<1x16xf32>,
        %get3A_214 = vector.shape_cast %get3A_213 : vector<1x16xf32> to vector<16xf32>
        %swap3A_215 = arith.index_cast %add3A_201 : i32 to index
        %swap3A_216 = arith.constant 16 : index
        %swap3A_217 = tpu.vector_load %arg9[%swap3A_215, %swap3A_216] {strides = array<i32>} : memref<200x64xf32, #tpu.memory_space<vmem>>, vector<1x16xf32>,
        %swap3A_218 = vector.shape_cast %swap3A_217 : vector<1x16xf32> to vector<16xf32>
        %swap3A_219 = vector.shape_cast %get3A_214 : vector<16xf32> to vector<1x16xf32>
        tpu.vector_store %arg9[%swap3A_215, %swap3A_216], %swap3A_219 {strides = array<i32>} : memref<200x64xf32, #tpu.memory_space<vmem>>, vector<1x16xf32>,
        %get3A_220 = arith.index_cast %add3A_201 : i32 to index
        %get3A_221 = arith.constant 32 : index
        %get3A_222 = tpu.vector_load %arg7[%get3A_220, %get3A_221] {strides = array<i32>} : memref<200x128xf32, #tpu.memory_space<vmem>>, vector<1x16xf32>,
        %get3A_223 = vector.shape_cast %get3A_222 : vector<1x16xf32> to vector<16xf32>
        %swap3A_224 = arith.index_cast %add3A_201 : i32 to index
        %swap3A_225 = arith.constant 32 : index
        %swap3A_226 = tpu.vector_load %arg9[%swap3A_224, %swap3A_225] {strides = array<i32>} : memref<200x64xf32, #tpu.memory_space<vmem>>, vector<1x16xf32>,
        %swap3A_227 = vector.shape_cast %swap3A_226 : vector<1x16xf32> to vector<16xf32>
        %swap3A_228 = vector.shape_cast %get3A_223 : vector<16xf32> to vector<1x16xf32>
        tpu.vector_store %arg9[%swap3A_224, %swap3A_225], %swap3A_228 {strides = array<i32>} : memref<200x64xf32, #tpu.memory_space<vmem>>, vector<1x16xf32>,
        %get3A_229 = arith.index_cast %add3A_201 : i32 to index
        %get3A_230 = arith.constant 48 : index
        %get3A_231 = tpu.vector_load %arg7[%get3A_229, %get3A_230] {strides = array<i32>} : memref<200x128xf32, #tpu.memory_space<vmem>>, vector<1x16xf32>,
        %get3A_232 = vector.shape_cast %get3A_231 : vector<1x16xf32> to vector<16xf32>
        %swap3A_233 = arith.index_cast %add3A_201 : i32 to index
        %swap3A_234 = arith.constant 48 : index
        %swap3A_235 = tpu.vector_load %arg9[%swap3A_233, %swap3A_234] {strides = array<i32>} : memref<200x64xf32, #tpu.memory_space<vmem>>, vector<1x16xf32>,
        %swap3A_236 = vector.shape_cast %swap3A_235 : vector<1x16xf32> to vector<16xf32>
        %swap3A_237 = vector.shape_cast %get3A_232 : vector<16xf32> to vector<1x16xf32>
        tpu.vector_store %arg9[%swap3A_233, %swap3A_234], %swap3A_237 {strides = array<i32>} : memref<200x64xf32, #tpu.memory_space<vmem>>, vector<1x16xf32>,
      }
      %scan3A_44 = arith.constant 50 : i32
      %mul3A_45 = arith.constant 200 : i32
      %mul3A_46 = arith.muli %mul3A_25, %mul3A_45 : i32
      %add3A_47 = arith.addi %mul3A_2, %mul3A_46 : i32
      %dma_start3A_48 = arith.constant 0 : i32
      %dma_start3A_49 = tpu.memref_slice %arg4[%add3A_47, %dma_start3A_48] : memref<3276800x64xf32, #tpu.memory_space<hbm>> -> memref<200x64xf32, #tpu.memory_space<hbm>>
      %dma_start3A_50 = arith.constant 0 : i32
      %dma_start3A_51 = tpu.memref_slice %arg4[%add3A_47, %dma_start3A_50] : memref<3276800x64xf32, #tpu.memory_space<hbm>> -> memref<200x64xf32, #tpu.memory_space<hbm>>
      tpu.enqueue_dma source(%arg9 : memref<200x64xf32, #tpu.memory_space<vmem>>) target(%dma_start3A_51 : memref<200x64xf32, #tpu.memory_space<hbm>>) target_semaphore(%arg13 : memref<!tpu.dma_semaphore, #tpu.memory_space<semaphore_mem>>)
      %add3A_52 = arith.constant 1 : i32
      %add3A_53 = arith.addi %scan3A_23, %add3A_52 : i32
      %lt3A = arith.constant 256 : i32
      %lt3A_54 = arith.cmpi slt, %add3A_53, %lt3A : i32
      %convert_element_type3A_55 = arith.extui %lt3A_54 : i1 to i32
      %cond3A_56 = arith.constant 0 : i32
      %cond3A_57 = arith.cmpi ne, %convert_element_type3A_55, %cond3A_56 : i32
      scf.if %cond3A_57 {
        %add3A_79 = arith.constant 2 : i32
        %add3A_80 = arith.addi %mul3A_25, %add3A_79 : i32
        %mul3A_81 = arith.constant 200 : i32
        %mul3A_82 = arith.muli %add3A_80, %mul3A_81 : i32
        %add3A_83 = arith.addi %mul3A_2, %mul3A_82 : i32
        "tpu.region"() ({
          %run_scoped3A = tpu.sem_alloc : memref<!tpu.dma_semaphore, #tpu.memory_space<semaphore_mem>>
          %dma_start3A_87 = tpu.memref_slice %arg2[%add3A_83] : memref<3276800xi32, #tpu.memory_space<hbm>> -> memref<200xi32, #tpu.memory_space<hbm>>
          %dma_start3A_88 = tpu.memref_slice %arg2[%add3A_83] : memref<3276800xi32, #tpu.memory_space<hbm>> -> memref<200xi32, #tpu.memory_space<hbm>>
          tpu.enqueue_dma source(%dma_start3A_88 : memref<200xi32, #tpu.memory_space<hbm>>) target(%arg5 : memref<200xi32, #tpu.memory_space<vmem>>) target_semaphore(%run_scoped3A : memref<!tpu.dma_semaphore, #tpu.memory_space<semaphore_mem>>)
          %dma_wait3A_89 = tpu.memref_slice %arg2[%add3A_83] : memref<3276800xi32, #tpu.memory_space<hbm>> -> memref<200xi32, #tpu.memory_space<hbm>>
          %dma_wait3A_90 = tpu.memref_slice %arg2[%add3A_83] : memref<3276800xi32, #tpu.memory_space<hbm>> -> memref<200xi32, #tpu.memory_space<hbm>>
          tpu.wait_dma2 semaphore(%run_scoped3A : memref<!tpu.dma_semaphore, #tpu.memory_space<semaphore_mem>>) src(%dma_wait3A_90 : memref<200xi32, #tpu.memory_space<hbm>>) dst(%arg5 : memref<200xi32, #tpu.memory_space<vmem>>)
          tpu.yield
        }) : () -> ()
        %dma_start3A_84 = arith.constant 0 : i32
        %dma_start3A_85 = arith.constant 0 : i32
        %dma_start3A_86 = tpu.memref_slice %arg3[%dma_start3A_84, %dma_start3A_85] : memref<1000000x128xf32, #tpu.memory_space<hbm>> -> memref<1000000x128xf32, #tpu.memory_space<hbm>>
        tpu.enqueue_indirect_dma source(%dma_start3A_86 : memref<1000000x128xf32, #tpu.memory_space<hbm>>) target(%arg7 : memref<200x128xf32, #tpu.memory_space<vmem>>) offsets(%arg5 : memref<200xi32, #tpu.memory_space<vmem>>) semaphore(%arg11 : memref<!tpu.dma_semaphore, #tpu.memory_space<semaphore_mem>>)
      } else {
      }
      %dma_wait3A_58 = arith.constant 0 : i32
      %dma_wait3A_59 = arith.constant 0 : i32
      %dma_wait3A_60 = tpu.memref_slice %arg3[%dma_wait3A_58, %dma_wait3A_59] : memref<1000000x128xf32, #tpu.memory_space<hbm>> -> memref<1000000x128xf32, #tpu.memory_space<hbm>>
      tpu.wait_indirect_dma semaphore(%arg12 : memref<!tpu.dma_semaphore, #tpu.memory_space<semaphore_mem>>) src(%dma_wait3A_60 : memref<1000000x128xf32, #tpu.memory_space<hbm>>) dst(%arg8 : memref<200x128xf32, #tpu.memory_space<vmem>>)
      %gt3A_61 = arith.constant 0 : i32
      %gt3A_62 = arith.cmpi sgt, %scan3A_23, %gt3A_61 : i32
      %convert_element_type3A_63 = arith.extui %gt3A_62 : i1 to i32
      %cond3A_64 = arith.constant 0 : i32
      %cond3A_65 = arith.cmpi ne, %convert_element_type3A_63, %cond3A_64 : i32
      scf.if %cond3A_65 {
        %sub3A = arith.constant 2 : i32
        %sub3A_79 = arith.subi %add3A_27, %sub3A : i32
        %mul3A_80 = arith.constant 200 : i32
        %mul3A_81 = arith.muli %sub3A_79, %mul3A_80 : i32
        %add3A_82 = arith.addi %mul3A_2, %mul3A_81 : i32
        %dma_wait3A_83 = arith.constant 0 : i32
        %dma_wait3A_84 = tpu.memref_slice %arg4[%add3A_82, %dma_wait3A_83] : memref<3276800x64xf32, #tpu.memory_space<hbm>> -> memref<200x64xf32, #tpu.memory_space<hbm>>
        %dma_wait3A_85 = arith.constant 0 : i32
        %dma_wait3A_86 = tpu.memref_slice %arg4[%add3A_82, %dma_wait3A_85] : memref<3276800x64xf32, #tpu.memory_space<hbm>> -> memref<200x64xf32, #tpu.memory_space<hbm>>
        tpu.wait_dma2 semaphore(%arg14 : memref<!tpu.dma_semaphore, #tpu.memory_space<semaphore_mem>>) src(%arg10 : memref<200x64xf32, #tpu.memory_space<vmem>>) dst(%dma_wait3A_86 : memref<200x64xf32, #tpu.memory_space<hbm>>)
      } else {
      }
      %scan3A_66 = arith.constant 0 : i32
      %scan3A_67 = arith.constant 0 : i32
      %scan3A_68 = arith.constant 50 : i32
      %scan3A_69 = arith.addi %scan3A_67, %scan3A_68 : i32
      %scan3A_70 = arith.constant 1 : i32
      scf.for %scan3A_79 = %scan3A_67 to %scan3A_69 step %scan3A_70  : i32 {
        %mul3A_80 = arith.constant 4 : i32
        %mul3A_81 = arith.muli %scan3A_79, %mul3A_80 : i32
        %add3A_82 = arith.constant 0 : i32
        %add3A_83 = arith.addi %mul3A_81, %add3A_82 : i32
        %get3A = arith.index_cast %add3A_83 : i32 to index
        %get3A_84 = arith.constant 0 : index
        %get3A_85 = tpu.vector_load %arg8[%get3A, %get3A_84] {strides = array<i32>} : memref<200x128xf32, #tpu.memory_space<vmem>>, vector<1x16xf32>,
        %get3A_86 = vector.shape_cast %get3A_85 : vector<1x16xf32> to vector<16xf32>
        %swap3A = arith.index_cast %add3A_83 : i32 to index
        %swap3A_87 = arith.constant 0 : index
        %swap3A_88 = tpu.vector_load %arg10[%swap3A, %swap3A_87] {strides = array<i32>} : memref<200x64xf32, #tpu.memory_space<vmem>>, vector<1x16xf32>,
        %swap3A_89 = vector.shape_cast %swap3A_88 : vector<1x16xf32> to vector<16xf32>
        %swap3A_90 = vector.shape_cast %get3A_86 : vector<16xf32> to vector<1x16xf32>
        tpu.vector_store %arg10[%swap3A, %swap3A_87], %swap3A_90 {strides = array<i32>} : memref<200x64xf32, #tpu.memory_space<vmem>>, vector<1x16xf32>,
        %get3A_91 = arith.index_cast %add3A_83 : i32 to index
        %get3A_92 = arith.constant 16 : index
        %get3A_93 = tpu.vector_load %arg8[%get3A_91, %get3A_92] {strides = array<i32>} : memref<200x128xf32, #tpu.memory_space<vmem>>, vector<1x16xf32>,
        %get3A_94 = vector.shape_cast %get3A_93 : vector<1x16xf32> to vector<16xf32>
        %swap3A_95 = arith.index_cast %add3A_83 : i32 to index
        %swap3A_96 = arith.constant 16 : index
        %swap3A_97 = tpu.vector_load %arg10[%swap3A_95, %swap3A_96] {strides = array<i32>} : memref<200x64xf32, #tpu.memory_space<vmem>>, vector<1x16xf32>,
        %swap3A_98 = vector.shape_cast %swap3A_97 : vector<1x16xf32> to vector<16xf32>
        %swap3A_99 = vector.shape_cast %get3A_94 : vector<16xf32> to vector<1x16xf32>
        tpu.vector_store %arg10[%swap3A_95, %swap3A_96], %swap3A_99 {strides = array<i32>} : memref<200x64xf32, #tpu.memory_space<vmem>>, vector<1x16xf32>,
        %get3A_100 = arith.index_cast %add3A_83 : i32 to index
        %get3A_101 = arith.constant 32 : index
        %get3A_102 = tpu.vector_load %arg8[%get3A_100, %get3A_101] {strides = array<i32>} : memref<200x128xf32, #tpu.memory_space<vmem>>, vector<1x16xf32>,
        %get3A_103 = vector.shape_cast %get3A_102 : vector<1x16xf32> to vector<16xf32>
        %swap3A_104 = arith.index_cast %add3A_83 : i32 to index
        %swap3A_105 = arith.constant 32 : index
        %swap3A_106 = tpu.vector_load %arg10[%swap3A_104, %swap3A_105] {strides = array<i32>} : memref<200x64xf32, #tpu.memory_space<vmem>>, vector<1x16xf32>,
        %swap3A_107 = vector.shape_cast %swap3A_106 : vector<1x16xf32> to vector<16xf32>
        %swap3A_108 = vector.shape_cast %get3A_103 : vector<16xf32> to vector<1x16xf32>
        tpu.vector_store %arg10[%swap3A_104, %swap3A_105], %swap3A_108 {strides = array<i32>} : memref<200x64xf32, #tpu.memory_space<vmem>>, vector<1x16xf32>,
        %get3A_109 = arith.index_cast %add3A_83 : i32 to index
        %get3A_110 = arith.constant 48 : index
        %get3A_111 = tpu.vector_load %arg8[%get3A_109, %get3A_110] {strides = array<i32>} : memref<200x128xf32, #tpu.memory_space<vmem>>, vector<1x16xf32>,
        %get3A_112 = vector.shape_cast %get3A_111 : vector<1x16xf32> to vector<16xf32>
        %swap3A_113 = arith.index_cast %add3A_83 : i32 to index
        %swap3A_114 = arith.constant 48 : index
        %swap3A_115 = tpu.vector_load %arg10[%swap3A_113, %swap3A_114] {strides = array<i32>} : memref<200x64xf32, #tpu.memory_space<vmem>>, vector<1x16xf32>,
        %swap3A_116 = vector.shape_cast %swap3A_115 : vector<1x16xf32> to vector<16xf32>
        %swap3A_117 = vector.shape_cast %get3A_112 : vector<16xf32> to vector<1x16xf32>
        tpu.vector_store %arg10[%swap3A_113, %swap3A_114], %swap3A_117 {strides = array<i32>} : memref<200x64xf32, #tpu.memory_space<vmem>>, vector<1x16xf32>,
        %mul3A_118 = arith.constant 4 : i32
        %mul3A_119 = arith.muli %scan3A_79, %mul3A_118 : i32
        %add3A_120 = arith.constant 1 : i32
        %add3A_121 = arith.addi %mul3A_119, %add3A_120 : i32
        %get3A_122 = arith.index_cast %add3A_121 : i32 to index
        %get3A_123 = arith.constant 0 : index
        %get3A_124 = tpu.vector_load %arg8[%get3A_122, %get3A_123] {strides = array<i32>} : memref<200x128xf32, #tpu.memory_space<vmem>>, vector<1x16xf32>,
        %get3A_125 = vector.shape_cast %get3A_124 : vector<1x16xf32> to vector<16xf32>
        %swap3A_126 = arith.index_cast %add3A_121 : i32 to index
        %swap3A_127 = arith.constant 0 : index
        %swap3A_128 = tpu.vector_load %arg10[%swap3A_126, %swap3A_127] {strides = array<i32>} : memref<200x64xf32, #tpu.memory_space<vmem>>, vector<1x16xf32>,
        %swap3A_129 = vector.shape_cast %swap3A_128 : vector<1x16xf32> to vector<16xf32>
        %swap3A_130 = vector.shape_cast %get3A_125 : vector<16xf32> to vector<1x16xf32>
        tpu.vector_store %arg10[%swap3A_126, %swap3A_127], %swap3A_130 {strides = array<i32>} : memref<200x64xf32, #tpu.memory_space<vmem>>, vector<1x16xf32>,
        %get3A_131 = arith.index_cast %add3A_121 : i32 to index
        %get3A_132 = arith.constant 16 : index
        %get3A_133 = tpu.vector_load %arg8[%get3A_131, %get3A_132] {strides = array<i32>} : memref<200x128xf32, #tpu.memory_space<vmem>>, vector<1x16xf32>,
        %get3A_134 = vector.shape_cast %get3A_133 : vector<1x16xf32> to vector<16xf32>
        %swap3A_135 = arith.index_cast %add3A_121 : i32 to index
        %swap3A_136 = arith.constant 16 : index
        %swap3A_137 = tpu.vector_load %arg10[%swap3A_135, %swap3A_136] {strides = array<i32>} : memref<200x64xf32, #tpu.memory_space<vmem>>, vector<1x16xf32>,
        %swap3A_138 = vector.shape_cast %swap3A_137 : vector<1x16xf32> to vector<16xf32>
        %swap3A_139 = vector.shape_cast %get3A_134 : vector<16xf32> to vector<1x16xf32>
        tpu.vector_store %arg10[%swap3A_135, %swap3A_136], %swap3A_139 {strides = array<i32>} : memref<200x64xf32, #tpu.memory_space<vmem>>, vector<1x16xf32>,
        %get3A_140 = arith.index_cast %add3A_121 : i32 to index
        %get3A_141 = arith.constant 32 : index
        %get3A_142 = tpu.vector_load %arg8[%get3A_140, %get3A_141] {strides = array<i32>} : memref<200x128xf32, #tpu.memory_space<vmem>>, vector<1x16xf32>,
        %get3A_143 = vector.shape_cast %get3A_142 : vector<1x16xf32> to vector<16xf32>
        %swap3A_144 = arith.index_cast %add3A_121 : i32 to index
        %swap3A_145 = arith.constant 32 : index
        %swap3A_146 = tpu.vector_load %arg10[%swap3A_144, %swap3A_145] {strides = array<i32>} : memref<200x64xf32, #tpu.memory_space<vmem>>, vector<1x16xf32>,
        %swap3A_147 = vector.shape_cast %swap3A_146 : vector<1x16xf32> to vector<16xf32>
        %swap3A_148 = vector.shape_cast %get3A_143 : vector<16xf32> to vector<1x16xf32>
        tpu.vector_store %arg10[%swap3A_144, %swap3A_145], %swap3A_148 {strides = array<i32>} : memref<200x64xf32, #tpu.memory_space<vmem>>, vector<1x16xf32>,
        %get3A_149 = arith.index_cast %add3A_121 : i32 to index
        %get3A_150 = arith.constant 48 : index
        %get3A_151 = tpu.vector_load %arg8[%get3A_149, %get3A_150] {strides = array<i32>} : memref<200x128xf32, #tpu.memory_space<vmem>>, vector<1x16xf32>,
        %get3A_152 = vector.shape_cast %get3A_151 : vector<1x16xf32> to vector<16xf32>
        %swap3A_153 = arith.index_cast %add3A_121 : i32 to index
        %swap3A_154 = arith.constant 48 : index
        %swap3A_155 = tpu.vector_load %arg10[%swap3A_153, %swap3A_154] {strides = array<i32>} : memref<200x64xf32, #tpu.memory_space<vmem>>, vector<1x16xf32>,
        %swap3A_156 = vector.shape_cast %swap3A_155 : vector<1x16xf32> to vector<16xf32>
        %swap3A_157 = vector.shape_cast %get3A_152 : vector<16xf32> to vector<1x16xf32>
        tpu.vector_store %arg10[%swap3A_153, %swap3A_154], %swap3A_157 {strides = array<i32>} : memref<200x64xf32, #tpu.memory_space<vmem>>, vector<1x16xf32>,
        %mul3A_158 = arith.constant 4 : i32
        %mul3A_159 = arith.muli %scan3A_79, %mul3A_158 : i32
        %add3A_160 = arith.constant 2 : i32
        %add3A_161 = arith.addi %mul3A_159, %add3A_160 : i32
        %get3A_162 = arith.index_cast %add3A_161 : i32 to index
        %get3A_163 = arith.constant 0 : index
        %get3A_164 = tpu.vector_load %arg8[%get3A_162, %get3A_163] {strides = array<i32>} : memref<200x128xf32, #tpu.memory_space<vmem>>, vector<1x16xf32>,
        %get3A_165 = vector.shape_cast %get3A_164 : vector<1x16xf32> to vector<16xf32>
        %swap3A_166 = arith.index_cast %add3A_161 : i32 to index
        %swap3A_167 = arith.constant 0 : index
        %swap3A_168 = tpu.vector_load %arg10[%swap3A_166, %swap3A_167] {strides = array<i32>} : memref<200x64xf32, #tpu.memory_space<vmem>>, vector<1x16xf32>,
        %swap3A_169 = vector.shape_cast %swap3A_168 : vector<1x16xf32> to vector<16xf32>
        %swap3A_170 = vector.shape_cast %get3A_165 : vector<16xf32> to vector<1x16xf32>
        tpu.vector_store %arg10[%swap3A_166, %swap3A_167], %swap3A_170 {strides = array<i32>} : memref<200x64xf32, #tpu.memory_space<vmem>>, vector<1x16xf32>,
        %get3A_171 = arith.index_cast %add3A_161 : i32 to index
        %get3A_172 = arith.constant 16 : index
        %get3A_173 = tpu.vector_load %arg8[%get3A_171, %get3A_172] {strides = array<i32>} : memref<200x128xf32, #tpu.memory_space<vmem>>, vector<1x16xf32>,
        %get3A_174 = vector.shape_cast %get3A_173 : vector<1x16xf32> to vector<16xf32>
        %swap3A_175 = arith.index_cast %add3A_161 : i32 to index
        %swap3A_176 = arith.constant 16 : index
        %swap3A_177 = tpu.vector_load %arg10[%swap3A_175, %swap3A_176] {strides = array<i32>} : memref<200x64xf32, #tpu.memory_space<vmem>>, vector<1x16xf32>,
        %swap3A_178 = vector.shape_cast %swap3A_177 : vector<1x16xf32> to vector<16xf32>
        %swap3A_179 = vector.shape_cast %get3A_174 : vector<16xf32> to vector<1x16xf32>
        tpu.vector_store %arg10[%swap3A_175, %swap3A_176], %swap3A_179 {strides = array<i32>} : memref<200x64xf32, #tpu.memory_space<vmem>>, vector<1x16xf32>,
        %get3A_180 = arith.index_cast %add3A_161 : i32 to index
        %get3A_181 = arith.constant 32 : index
        %get3A_182 = tpu.vector_load %arg8[%get3A_180, %get3A_181] {strides = array<i32>} : memref<200x128xf32, #tpu.memory_space<vmem>>, vector<1x16xf32>,
        %get3A_183 = vector.shape_cast %get3A_182 : vector<1x16xf32> to vector<16xf32>
        %swap3A_184 = arith.index_cast %add3A_161 : i32 to index
        %swap3A_185 = arith.constant 32 : index
        %swap3A_186 = tpu.vector_load %arg10[%swap3A_184, %swap3A_185] {strides = array<i32>} : memref<200x64xf32, #tpu.memory_space<vmem>>, vector<1x16xf32>,
        %swap3A_187 = vector.shape_cast %swap3A_186 : vector<1x16xf32> to vector<16xf32>
        %swap3A_188 = vector.shape_cast %get3A_183 : vector<16xf32> to vector<1x16xf32>
        tpu.vector_store %arg10[%swap3A_184, %swap3A_185], %swap3A_188 {strides = array<i32>} : memref<200x64xf32, #tpu.memory_space<vmem>>, vector<1x16xf32>,
        %get3A_189 = arith.index_cast %add3A_161 : i32 to index
        %get3A_190 = arith.constant 48 : index
        %get3A_191 = tpu.vector_load %arg8[%get3A_189, %get3A_190] {strides = array<i32>} : memref<200x128xf32, #tpu.memory_space<vmem>>, vector<1x16xf32>,
        %get3A_192 = vector.shape_cast %get3A_191 : vector<1x16xf32> to vector<16xf32>
        %swap3A_193 = arith.index_cast %add3A_161 : i32 to index
        %swap3A_194 = arith.constant 48 : index
        %swap3A_195 = tpu.vector_load %arg10[%swap3A_193, %swap3A_194] {strides = array<i32>} : memref<200x64xf32, #tpu.memory_space<vmem>>, vector<1x16xf32>,
        %swap3A_196 = vector.shape_cast %swap3A_195 : vector<1x16xf32> to vector<16xf32>
        %swap3A_197 = vector.shape_cast %get3A_192 : vector<16xf32> to vector<1x16xf32>
        tpu.vector_store %arg10[%swap3A_193, %swap3A_194], %swap3A_197 {strides = array<i32>} : memref<200x64xf32, #tpu.memory_space<vmem>>, vector<1x16xf32>,
        %mul3A_198 = arith.constant 4 : i32
        %mul3A_199 = arith.muli %scan3A_79, %mul3A_198 : i32
        %add3A_200 = arith.constant 3 : i32
        %add3A_201 = arith.addi %mul3A_199, %add3A_200 : i32
        %get3A_202 = arith.index_cast %add3A_201 : i32 to index
        %get3A_203 = arith.constant 0 : index
        %get3A_204 = tpu.vector_load %arg8[%get3A_202, %get3A_203] {strides = array<i32>} : memref<200x128xf32, #tpu.memory_space<vmem>>, vector<1x16xf32>,
        %get3A_205 = vector.shape_cast %get3A_204 : vector<1x16xf32> to vector<16xf32>
        %swap3A_206 = arith.index_cast %add3A_201 : i32 to index
        %swap3A_207 = arith.constant 0 : index
        %swap3A_208 = tpu.vector_load %arg10[%swap3A_206, %swap3A_207] {strides = array<i32>} : memref<200x64xf32, #tpu.memory_space<vmem>>, vector<1x16xf32>,
        %swap3A_209 = vector.shape_cast %swap3A_208 : vector<1x16xf32> to vector<16xf32>
        %swap3A_210 = vector.shape_cast %get3A_205 : vector<16xf32> to vector<1x16xf32>
        tpu.vector_store %arg10[%swap3A_206, %swap3A_207], %swap3A_210 {strides = array<i32>} : memref<200x64xf32, #tpu.memory_space<vmem>>, vector<1x16xf32>,
        %get3A_211 = arith.index_cast %add3A_201 : i32 to index
        %get3A_212 = arith.constant 16 : index
        %get3A_213 = tpu.vector_load %arg8[%get3A_211, %get3A_212] {strides = array<i32>} : memref<200x128xf32, #tpu.memory_space<vmem>>, vector<1x16xf32>,
        %get3A_214 = vector.shape_cast %get3A_213 : vector<1x16xf32> to vector<16xf32>
        %swap3A_215 = arith.index_cast %add3A_201 : i32 to index
        %swap3A_216 = arith.constant 16 : index
        %swap3A_217 = tpu.vector_load %arg10[%swap3A_215, %swap3A_216] {strides = array<i32>} : memref<200x64xf32, #tpu.memory_space<vmem>>, vector<1x16xf32>,
        %swap3A_218 = vector.shape_cast %swap3A_217 : vector<1x16xf32> to vector<16xf32>
        %swap3A_219 = vector.shape_cast %get3A_214 : vector<16xf32> to vector<1x16xf32>
        tpu.vector_store %arg10[%swap3A_215, %swap3A_216], %swap3A_219 {strides = array<i32>} : memref<200x64xf32, #tpu.memory_space<vmem>>, vector<1x16xf32>,
        %get3A_220 = arith.index_cast %add3A_201 : i32 to index
        %get3A_221 = arith.constant 32 : index
        %get3A_222 = tpu.vector_load %arg8[%get3A_220, %get3A_221] {strides = array<i32>} : memref<200x128xf32, #tpu.memory_space<vmem>>, vector<1x16xf32>,
        %get3A_223 = vector.shape_cast %get3A_222 : vector<1x16xf32> to vector<16xf32>
        %swap3A_224 = arith.index_cast %add3A_201 : i32 to index
        %swap3A_225 = arith.constant 32 : index
        %swap3A_226 = tpu.vector_load %arg10[%swap3A_224, %swap3A_225] {strides = array<i32>} : memref<200x64xf32, #tpu.memory_space<vmem>>, vector<1x16xf32>,
        %swap3A_227 = vector.shape_cast %swap3A_226 : vector<1x16xf32> to vector<16xf32>
        %swap3A_228 = vector.shape_cast %get3A_223 : vector<16xf32> to vector<1x16xf32>
        tpu.vector_store %arg10[%swap3A_224, %swap3A_225], %swap3A_228 {strides = array<i32>} : memref<200x64xf32, #tpu.memory_space<vmem>>, vector<1x16xf32>,
        %get3A_229 = arith.index_cast %add3A_201 : i32 to index
        %get3A_230 = arith.constant 48 : index
        %get3A_231 = tpu.vector_load %arg8[%get3A_229, %get3A_230] {strides = array<i32>} : memref<200x128xf32, #tpu.memory_space<vmem>>, vector<1x16xf32>,
        %get3A_232 = vector.shape_cast %get3A_231 : vector<1x16xf32> to vector<16xf32>
        %swap3A_233 = arith.index_cast %add3A_201 : i32 to index
        %swap3A_234 = arith.constant 48 : index
        %swap3A_235 = tpu.vector_load %arg10[%swap3A_233, %swap3A_234] {strides = array<i32>} : memref<200x64xf32, #tpu.memory_space<vmem>>, vector<1x16xf32>,
        %swap3A_236 = vector.shape_cast %swap3A_235 : vector<1x16xf32> to vector<16xf32>
        %swap3A_237 = vector.shape_cast %get3A_232 : vector<16xf32> to vector<1x16xf32>
        tpu.vector_store %arg10[%swap3A_233, %swap3A_234], %swap3A_237 {strides = array<i32>} : memref<200x64xf32, #tpu.memory_space<vmem>>, vector<1x16xf32>,
      }
      %scan3A_71 = arith.constant 50 : i32
      %mul3A_72 = arith.constant 200 : i32
      %mul3A_73 = arith.muli %add3A_27, %mul3A_72 : i32
      %add3A_74 = arith.addi %mul3A_2, %mul3A_73 : i32
      %dma_start3A_75 = arith.constant 0 : i32
      %dma_start3A_76 = tpu.memref_slice %arg4[%add3A_74, %dma_start3A_75] : memref<3276800x64xf32, #tpu.memory_space<hbm>> -> memref<200x64xf32, #tpu.memory_space<hbm>>
      %dma_start3A_77 = arith.constant 0 : i32
      %dma_start3A_78 = tpu.memref_slice %arg4[%add3A_74, %dma_start3A_77] : memref<3276800x64xf32, #tpu.memory_space<hbm>> -> memref<200x64xf32, #tpu.memory_space<hbm>>
      tpu.enqueue_dma source(%arg10 : memref<200x64xf32, #tpu.memory_space<vmem>>) target(%dma_start3A_78 : memref<200x64xf32, #tpu.memory_space<hbm>>) target_semaphore(%arg14 : memref<!tpu.dma_semaphore, #tpu.memory_space<semaphore_mem>>)
    }
    %scan3A_11 = arith.constant 256 : i32
    %add3A_12 = arith.constant 102000 : i32
    %add3A_13 = arith.addi %mul3A_2, %add3A_12 : i32
    %dma_wait3A = arith.constant 0 : i32
    %dma_wait3A_14 = tpu.memref_slice %arg4[%add3A_13, %dma_wait3A] : memref<3276800x64xf32, #tpu.memory_space<hbm>> -> memref<200x64xf32, #tpu.memory_space<hbm>>
    %dma_wait3A_15 = arith.constant 0 : i32
    %dma_wait3A_16 = tpu.memref_slice %arg4[%add3A_13, %dma_wait3A_15] : memref<3276800x64xf32, #tpu.memory_space<hbm>> -> memref<200x64xf32, #tpu.memory_space<hbm>>
    tpu.wait_dma2 semaphore(%arg13 : memref<!tpu.dma_semaphore, #tpu.memory_space<semaphore_mem>>) src(%arg9 : memref<200x64xf32, #tpu.memory_space<vmem>>) dst(%dma_wait3A_16 : memref<200x64xf32, #tpu.memory_space<hbm>>)
    %add3A_17 = arith.constant 102200 : i32
    %add3A_18 = arith.addi %mul3A_2, %add3A_17 : i32
    %dma_wait3A_19 = arith.constant 0 : i32
    %dma_wait3A_20 = tpu.memref_slice %arg4[%add3A_18, %dma_wait3A_19] : memref<3276800x64xf32, #tpu.memory_space<hbm>> -> memref<200x64xf32, #tpu.memory_space<hbm>>
    %dma_wait3A_21 = arith.constant 0 : i32
    %dma_wait3A_22 = tpu.memref_slice %arg4[%add3A_18, %dma_wait3A_21] : memref<3276800x64xf32, #tpu.memory_space<hbm>> -> memref<200x64xf32, #tpu.memory_space<hbm>>
    tpu.wait_dma2 semaphore(%arg14 : memref<!tpu.dma_semaphore, #tpu.memory_space<semaphore_mem>>) src(%arg10 : memref<200x64xf32, #tpu.memory_space<vmem>>) dst(%dma_wait3A_22 : memref<200x64xf32, #tpu.memory_space<hbm>>)
    return
  }
}

</mosaic_0001>

<sc_bundles>
// kernel: kernel.3.cloned.1.call-start
scs
__scs_entry_jumppad:
0x0: {  	(pc) =	sbr.rel $0x88, $3  }
0x1: {  	(tag) =	ssettag $0x0;
	lr =	simm.s32 $0x1  }
0x2: {  	[smem:$0x3F9F] =	sst lr;
	_ =	strace $0xD0000000  }
0x3: {  	_ = 	snop  }
0x4: {  	_ = 	snop  }
0x5: {  	_ = 	snop  }
0x6: {  	_ = 	snop  }
0x7: {  	_ = 	snop  }
__scs_overlays_trampoline_lowered:
0x8: {  	[smem:$0x3FAE] =	sst s0  }
0x9: {  	[smem:$0x3FAF] =	sst s1  }
0xa: {  	[smem:$0x3FB0] =	sst s2  }
0xb: {  	[smem:$0x3FB1] =	sst s3  }
0xc: {  	[smem:$0x3FB2] =	sst s4  }
0xd: {  	[smem:$0x3FB3] =	sst s5  }
0xe: {  	[smem:$0x3FB4] =	sst s6  }
0xf: {  	[smem:$0x3FB5] =	sst s7  }
0x10: {  	[smem:$0x3FB6] =	sst s8  }
0x11: {  	[smem:$0x3FB7] =	sst s9;
	s0 =	simm.s32 @!p0 $0x0  }
0x12: {  	s1 =	sld [smem:$0x3F9D];
	s0 =	simm.s32 @p0 $0x1  }
0x13: {  	[smem:$0x3FB8] =	sst s0;
	s0 =	simm.s32 @!p1 $0x0  }
0x14: {  	s2 =	sld [smem:$0x3F9C];
	s0 =	simm.s32 @p1 $0x1  }
0x15: {  	[smem:$0x3FB9] =	sst s0;
	s0 =	simm.s32 @!p2 $0x0  }
0x16: {  	s3 =	sld [smem:$0x3FDB];
	s0 =	simm.s32 @p2 $0x1  }
0x17: {  	s4 =	simm.s32 $0x1BF5;
	[smem:$0x3FBB] =	sst s0  }
0x18: {  	s0 =	sld [smem:$0x3F9E];
	_ =	swait.ge [sflag:s4], $0x0  }
0x19: {  	s7 =	sld [smem:$0x3F9F]  }
0x1a: {  	s8 =	sadd.s32 $0xFFFFE003, lr  }
0x1b: {  	s9 =	sadd.s32 $0xFFFFFEF7, lr;
	s5 =	simm.s32 $0xFFFFFFFF;
	p2 =	slt.u32 s8, $0xFFFFF086  }
0x1c: {  	p1 =	slt.u32 s9, $0xF7A;
	s5 =	simm.s32 @!p2 $0x0  }
0x1d: {  	s5 =	simm.s32 @p1 $0x1;
	p0 =	seq.s32 s7, s2  }
0x1e: {  	s7 =	smul.u32 @!p0 $0xF7A, s2;
	p2 =	seq.s32 @!p0 s5, $0x0  }
0x1f: {  	s9 =	smul.u32 $0xF7A, s1;
	s8 =	simm.s32 @!p0 $0x1BF5;
	p2 =	por !p2, p0  }
0x20: {  	[sflag:s8] =	ssyncset.s32 @!p0 $0xFFFFF086;
	s6 =	sadd.s32 @!p0 s3, s7;
	s7 =	simm.s32 @!p0 $0x108  }
0x21: {  	s3 =	sadd.s32 s3, s9;
	s6 =	sadd.s32 @!p0 $0x88, s6;
	s7 =	simm.s32 @p2 $0x1082  }
0x22: {  	[simem:s7], [sflag:s8] =	dma.local @!p0 [hbm:s6], $0xF7A  }
0x23: {  	s9 =	sor.u32 $0xD0000000, s2;
	s6 =	simm.s32 $0x108;
	_ =	swait.ge @!p0 [sflag:s8], $0x0  }
0x24: {  	s3 =	sadd.s32 $0x88, s3;
	s6 =	simm.s32 @!p1 $0x1082;
	[sflag:s4] =	ssyncset.s32 $0xFFFFF086  }
0x25: {  	[simem:s6], [sflag:s4] =	dma.local [hbm:s3], $0xF7A  }
0x26: {  	[smem:$0x3F9F] =	sst s1;
	(tag) =	ssettag s2;
	_ =	strace s9  }
0x27: {  	s1 =	sld [smem:$0x3FAF]  }
0x28: {  	s2 =	sld [smem:$0x3FB0]  }
0x29: {  	s4 =	sld [smem:$0x3FB2]  }
0x2a: {  	p0 =	seq.s32 s5, $0x0;
	s5 =	sld [smem:$0x3FB3]  }
0x2b: {  	s6 =	sld [smem:$0x3FB4]  }
0x2c: {  	s7 =	sld [smem:$0x3FB5]  }
0x2d: {  	s3 =	simm.s32 $0x108;
	s8 =	sld [smem:$0x3FB6]  }
0x2e: {  	s3 =	simm.s32 @!p0 $0x1082;
	s9 =	sld [smem:$0x3FB7]  }
0x2f: {  	lr =	sadd.s32 s0, s3;
	s0 =	sld [smem:$0x3FAE]  }
0x30: {  	s3 =	sld [smem:$0x3FB1]  }
0x31: {  	[smem:$0x3FBA] =	sst s10  }
0x32: {  	s10 =	sld [smem:$0x3FB8];
	_ =	sdelay $0x3  }
0x33: {  	p0 =	seq.s32 s10, $0x1;
	s10 =	sld [smem:$0x3FBA];
	_ =	sdelay $0x3  }
0x34: {  	[smem:$0x3FBA] =	sst s10  }
0x35: {  	s10 =	sld [smem:$0x3FB9];
	_ =	sdelay $0x3  }
0x36: {  	p1 =	seq.s32 s10, $0x1;
	s10 =	sld [smem:$0x3FBA];
	_ =	sdelay $0x3  }
0x37: {  	[smem:$0x3FBA] =	sst s10  }
0x38: {  	s10 =	sld [smem:$0x3FBB]  }
0x39: {  	_ = 	snop;
	(pc) =	sbr.ind lr, $3  }
0x3a: {  	_ = 	snop  }
0x3b: {  	_ = 	snop  }
0x3c: {  	p2 =	seq.s32 s10, $0x1;
	s10 =	sld [smem:$0x3FBA]  }
0x3d: {  	_ =	shalt  }
0x3e: {  	_ =	shalt  }
0x3f: {  	_ =	shalt  }
0x40: {  	_ =	shalt  }
0x41: {  	_ =	shalt  }
0x42: {  	_ =	shalt  }
0x43: {  	_ =	shalt  }
0x44: {  	_ =	shalt  }
0x45: {  	_ =	shalt  }
0x46: {  	_ =	shalt  }
0x47: {  	_ =	shalt  }
0x48: {  	_ =	shalt  }
0x49: {  	_ =	shalt  }
0x4a: {  	_ =	shalt  }
0x4b: {  	_ =	shalt  }
0x4c: {  	_ =	shalt  }
0x4d: {  	_ =	shalt  }
0x4e: {  	_ =	shalt  }
0x4f: {  	_ =	shalt  }
0x50: {  	_ =	shalt  }
0x51: {  	_ =	shalt  }
0x52: {  	_ =	shalt  }
0x53: {  	_ =	shalt  }
0x54: {  	_ =	shalt  }
0x55: {  	_ =	shalt  }
0x56: {  	_ =	shalt  }
0x57: {  	_ =	shalt  }
0x58: {  	_ =	shalt  }
0x59: {  	_ =	shalt  }
0x5a: {  	_ =	shalt  }
0x5b: {  	_ =	shalt  }
0x5c: {  	_ =	shalt  }
0x5d: {  	_ =	shalt  }
0x5e: {  	_ =	shalt  }
0x5f: {  	_ =	shalt  }
0x60: {  	_ =	shalt  }
0x61: {  	_ =	shalt  }
0x62: {  	_ =	shalt  }
0x63: {  	_ =	shalt  }
0x64: {  	_ =	shalt  }
0x65: {  	_ =	shalt  }
0x66: {  	_ =	shalt  }
0x67: {  	_ =	shalt  }
0x68: {  	_ =	shalt  }
0x69: {  	_ =	shalt  }
0x6a: {  	_ =	shalt  }
0x6b: {  	_ =	shalt  }
0x6c: {  	_ =	shalt  }
0x6d: {  	_ =	shalt  }
0x6e: {  	_ =	shalt  }
0x6f: {  	_ =	shalt  }
0x70: {  	_ =	shalt  }
0x71: {  	_ =	shalt  }
0x72: {  	_ =	shalt  }
0x73: {  	_ =	shalt  }
0x74: {  	_ =	shalt  }
0x75: {  	_ =	shalt  }
0x76: {  	_ =	shalt  }
0x77: {  	_ =	shalt  }
0x78: {  	_ =	shalt  }
0x79: {  	_ =	shalt  }
0x7a: {  	_ =	shalt  }
0x7b: {  	_ =	shalt  }
0x7c: {  	_ =	shalt  }
0x7d: {  	_ =	shalt  }
0x7e: {  	_ =	shalt  }
0x7f: {  	_ =	shalt  }
0x80: {  	_ =	shalt  }
0x81: {  	_ =	shalt  }
0x82: {  	_ =	shalt  }
0x83: {  	_ =	shalt  }
0x84: {  	_ =	shalt  }
0x85: {  	_ =	shalt  }
0x86: {  	_ =	shalt  }
0x87: {  	_ =	shalt  }
.Lfunc_end0:
.L_simem_size_0:
called_computation.1_lowered:
.L_overlay_start_0:
0x88: {  	s2 =	sld [smem:$0x3FD9]  }
0x89: {  	s3 =	sld [smem:$0x3FFE];
	_ =	sdelay $0x1  }
0x8a: {  	s1 =	srdreg.scid  }
0x8b: {  	s0 =	sand.u32 $0x1, s1  }
0x8c: {  	s16 =	sshll.u32 s0, $0xA;
	s2 =	sadd.s32 s3, s2  }
0x8d: {  	s2 =	sadd.s32 s2, s16  }
0x8e: {  	[smem:$0x3FC6] =	sst s2  }
0x8f: {  	_ = 	snop  }
0x90: {  	(tm) =	ssettm $0x1  }
0x91: {  	s17 =	sld [smem:$0x3FFB];
	_ =	sdelay $0x3  }
0x92: {  	_ =	strace s17  }
0x93: {  	s2 =	sld [smem:$0x3FFC];
	_ =	sdelay $0x3  }
0x94: {  	_ =	strace s2  }
0x95: {  	s2 =	sld [smem:$0x3FFD];
	_ =	sdelay $0x3  }
0x96: {  	_ =	strace s2  }
0x97: {  	_ =	strace $0x8FFFFFFF  }
0x98: {  	s18 =	sld [smem:$0x3FDB];
	_ =	sdelay $0x1  }
0x99: {  	s19 =	simm.s32 $_scs_section_size  }
0x9a: {  	s4 =	simm.s32 $_size__tile_overlayer_lowered;
	s5 =	simm.s32 $_tile_overlayer_lowered  }
0x9b: {  	s22 =	simm.s32 $0x1BFF;
	s21 =	sshll.u32 s5, $0x1;
	s2 =	sadd.s32 s19, s18  }
0x9c: {  	s6 =	simm.s32 $0x0;
	s20 =	sshll.u32 s4, $0x1;
	s4 =	sadd.s32 s21, s2  }
0x9d: {  	[timem:s6], [sflag:s22] =	dma.local [hbm:s4], s20  }
0x9e: {  	_ =	swait.ge [sflag:s22], s20  }
0x9f: {  	s3 =	ssub.s32 $0x0, s20;
	[sflag:s22] =	ssyncset.done $0x0  }
0xa0: {  	[sflag:s22] =	ssyncadd.s32 s3;
	_ =	sdelay $0x1  }
0xa1: {  	s23 =	simm.s32 $0x1B8B  }
0xa2: {  	_ =	swait.ge [sflag:s23], $0x1  }
0xa3: {  	[sflag:s23] =	ssyncset.done $0x0  }
0xa4: {  	s25 =	simm.s32 $0x1B8E;
	s24 =	sld [smem:$0x3FFE];
	[sflag:s23] =	ssyncadd.s32 $0xFFFFFFFF  }
0xa5: {  	s26 =	simm.s32 $execute0_lowered;
	[smem:$0x3FD2] =	sst s25  }
0xa6: {  	s4 =	sshll.u32 s26, $0x1;
	_ =	strace $0x80000046;
	[dreg:$0x1] =	wrdreg $0xFFFFFFFF  }
0xa7: {  	s28 =	simm.s32 $_size_execute0_lowered;
	s2 =	sadd.s32 s2, s4;
	[dreg:$0x0] =	wrdreg $0x0  }
0xa8: {  	s4 =	sshll.u32 s28, $0x1;
	[dreg:$0x2] =	wrdreg s2  }
0xa9: {  	[dreg:$0x3] =	wrdreg s4  }
0xaa: {  	[dreg:$0x4] =	wrdreg $0xC0  }
0xab: {  	_ =	task [dreg:s6], $0x5FFFF  }
0xac: {  	[dreg:$0x1] =	wrdreg $0xFFFFFFFF  }
0xad: {  	[dreg:$0x0] =	wrdreg $0x60  }
0xae: {  	[dreg:$0x2] =	wrdreg s24  }
0xaf: {  	[dreg:$0x3] =	wrdreg $0x9  }
0xb0: {  	_ =	task.clear_ibuf [dreg:s6], $0x4FFFF;
	_ =	strace $0x90000046  }
0xb1: {  	s29 =	simm.s32 $0x9;
	_ =	strace $0x80000048  }
0xb2: {  	_ =	swait.ge [sflag:s29], $0x1  }
0xb3: {  	[sflag:s29] =	ssyncadd.s32 $0xFFFFFFFF  }
0xb4: {  	_ =	strace $0x90000048  }
0xb5: {  	_ =	sfence  }
0xb6: {  	s30 =	sld [smem:$0x0];
	_ =	sdelay $0x2  }
0xb7: {  	s31 =	sshll.u32 s1, $0xD;
	s1 =	sshrl.u32 s1, $0x2  }
0xb8: {  	s3 =	sand.u32 $0x4000, s31;
	s1 =	sadd.s32 s1, s30  }
0xb9: {  	s0 =	sor.u32 s3, s0;
	s1 =	sshll.u32 s1, $0x11  }
0xba: {  	s0 =	sor.u32 s1, s0  }
0xbb: {  	s0 =	sadd.s32 $0x8F2B, s0  }
0xbc: {  	[sflag:s0] =	ssyncadd.remote.s32 $0x1  }
0xbd: {  	_ =	sfence.sel $0xFFFF  }
0xbe: {  	[dreg:$0x0] =	wrdreg $0xFFFFFFFF;
	(pc) =	sbr.abs _section_cstart, $3  }
0xbf: {  	[dreg:$0x1] =	wrdreg $0xFFFFFFFF  }
0xc0: {  	_ =	task.clear_ibuf [dreg:s6], $0x2FFFF;
	_ =	strace $0x9FFFFFFF  }
0xc1: {  	(tm) =	ssettm $0x7FFFFFFF  }
tec
execute0_lowered:
.L_overlay_start_1:
0x0: {  	(tag) =	ssettag $0x1  }
0x1: {  	s1 =	srdreg.scid  }
0x2: {  	s0 =	stileid.u32;
	s6 =	rddreg [dreg:$0x0];
	s2 =	simm.s32 $0x0  }
0x3: {  	s11 =	simm.s32 $0x5;
	s12 =	simm.s32 $0xC8;
	s13 =	simm.s32 $0x200  }
0x4: {  	s14 =	simm.s32 $0x100;
	s15 =	simm.s32 $0x6600;
	s16 =	simm.s32 $0x1  }
0x5: {  	s17 =	simm.s32 $0xCA00;
	s18 =	simm.s32 $0x2;
	s19 =	simm.s32 $0x4  }
0x6: {  	s20 =	simm.s32 $0x12E00;
	s21 =	simm.s32 $0x3;
	s22 =	simm.s32 $0x0  }
0x7: {  	s5 =	sand.u32 $0x1, s1;
	s3 =	sshll.u32 s0, $0x1;
	s1 =	rddreg [dreg:$0x1]  }
0x8: {  	[smem:$0x7FF] =	sst s2;
	s4 =	sadd.s32 $0x800, s6;
	s3 =	sor.u32 s5, s3  }
0x9: {  	_ =	strace $0x80000047;
	s7 =	ssub.s32 $0x2, s5;
	s3 =	smul.u32 $0x19000, s3  }
0xa: {  	s5 =	sadd.s32 $0x64800, s6;
	s6 =	sadd.s32 $0xFA6C00, s6;
	s8 =	sshrl.u32 s7, $0x1  }
0xb: {  	s10 =	ssub.s32 s7, s8;
	s9 =	sshrl.u32 s3, $0x3;
	s8 =	sor.u32 $0xC8, s3  }
0xc: {  	s10 =	smax.u32 s10, $0x1;
	s7 =	sadd.s32 s4, s9;
	s9 =	sor.u32 $0x190, s3  }
.LBB2_1:
0xd: {  	[tilespmem:s2], [sflag:$0x5] =	stream.linear.gather [hbm4b:s7+s2], $0xC8, $0x38;
	[tilespmem:$0x19200] =	vst v63  }
0xe: {  	_ =	swait.ge [sflag:s11], $0xC8  }
0xf: {  	[sflag:s11] =	ssyncset.done $0x0  }
0x10: {  	s23 =	simm.s32 $0x0;
	[sflag:s11] =	ssyncadd.s32 $0xFFFFFF38  }
0x11: {  	[tilespmem:s13], [sflag:$0x1] =	stream.indirect.gather [hbm4b:s5+s12], $0x80, s2, s12, $0xb8;
	[tilespmem:$0x19200] =	vst v63  }
.LBB2_2:
0x12: {  	s25 =	smul.u32 $0x190, s23;
	_ =	sdelay $0x1  }
0x13: {  	s24 =	sadd.s32 s25, s8  }
0x14: {  	s26 =	sshrl.u32 s24, $0x3  }
0x15: {  	s26 =	sadd.s32 s4, s26  }
0x16: {  	[tilespmem:s14], [sflag:$0x5] =	stream.linear.gather [hbm4b:s26+s2], $0xC8, $0x38;
	[tilespmem:$0x19200] =	vst v63  }
0x17: {  	_ =	swait.ge [sflag:s11], $0xC8  }
0x18: {  	[sflag:s11] =	ssyncset.done $0x0  }
0x19: {  	[sflag:s11] =	ssyncadd.s32 $0xFFFFFF38  }
0x1a: {  	[tilespmem:s15], [sflag:$0x2] =	stream.indirect.gather [hbm4b:s5+s12], $0x80, s14, s12, $0xb8;
	[tilespmem:$0x19200] =	vst v63  }
0x1b: {  	_ =	swait.ge [sflag:s16], $0x6400  }
0x1c: {  	p0 =	seq.s32 s23, $0x0;
	[sflag:s16] =	ssyncset.done $0x0  }
0x1d: {  	s26 =	simm.s32 @!p0 $0x3;
	[sflag:s16] =	ssyncadd.s32 $0xFFFF9C00  }
0x1e: {  	_ =	swait.ge @!p0 [sflag:s26], $0x6400  }
0x1f: {  	[sflag:s26] =	ssyncset.done @!p0 $0x0  }
0x20: {  	[sflag:s26] =	ssyncadd.s32 @!p0 $0xFFFF9C00;
	s26 =	simm.s32 $0x0  }
0x21: {  	v0 =	vld [tilespmem:s26+$0x3B0]  }
0x22: {  	v1 =	vld [tilespmem:s26+$0x200]  }
0x23: {  	v2 =	vld [tilespmem:s26+$0x210]  }
0x24: {  	v3 =	vld [tilespmem:s26+$0x220]  }
0x25: {  	v4 =	vld [tilespmem:s26+$0x230]  }
0x26: {  	v5 =	vld [tilespmem:s26+$0x280];
	[tilespmem:s26+$0xCBB0] =	vst v0  }
0x27: {  	[tilespmem:s26+$0xCA00] =	vst v1;
	v0 =	vld [tilespmem:s26+$0x290]  }
0x28: {  	[tilespmem:s26+$0xCA10] =	vst v2;
	v1 =	vld [tilespmem:s26+$0x2A0]  }
0x29: {  	[tilespmem:s26+$0xCA20] =	vst v3;
	v2 =	vld [tilespmem:s26+$0x2B0]  }
0x2a: {  	[tilespmem:s26+$0xCA30] =	vst v4;
	v3 =	vld [tilespmem:s26+$0x300]  }
0x2b: {  	[tilespmem:s26+$0xCA80] =	vst v5;
	v4 =	vld [tilespmem:s26+$0x310]  }
0x2c: {  	[tilespmem:s26+$0xCA90] =	vst v0;
	v0 =	vld [tilespmem:s26+$0x320]  }
0x2d: {  	[tilespmem:s26+$0xCAA0] =	vst v1;
	v1 =	vld [tilespmem:s26+$0x330]  }
0x2e: {  	[tilespmem:s26+$0xCAB0] =	vst v2;
	v2 =	vld [tilespmem:s26+$0x380]  }
0x2f: {  	[tilespmem:s26+$0xCB00] =	vst v3;
	v3 =	vld [tilespmem:s26+$0x390]  }
0x30: {  	s28 =	simm.s32 $0x200;
	s29 =	simm.s32 $0x1000;
	[tilespmem:s26+$0xCB10] =	vst v4;
	v4 =	vld [tilespmem:s26+$0x3A0]  }
.LBB2_3:
0x31: {  	p1 =	sne.s32 s29, $0x18800;
	v5 =	vld [tilespmem:s28+$0x3B0];
	[tilespmem:s26+$0xCB20] =	vst v0  }
0x32: {  	v0 =	vld [tilespmem:s28+$0x200];
	[tilespmem:s26+$0xCB30] =	vst v1  }
0x33: {  	v1 =	vld [tilespmem:s28+$0x210];
	[tilespmem:s26+$0xCB80] =	vst v2  }
0x34: {  	v2 =	vld [tilespmem:s28+$0x220];
	[tilespmem:s26+$0xCB90] =	vst v3  }
0x35: {  	v3 =	vld [tilespmem:s28+$0x230];
	[tilespmem:s26+$0xCBA0] =	vst v4;
	s26 =	smov.u32 s28  }
0x36: {  	v4 =	vld [tilespmem:s26+$0x280];
	[tilespmem:s26+$0xCBB0] =	vst v5  }
0x37: {  	[tilespmem:s26+$0xCA00] =	vst v0;
	v0 =	vld [tilespmem:s26+$0x290]  }
0x38: {  	[tilespmem:s26+$0xCA10] =	vst v1;
	v1 =	vld [tilespmem:s26+$0x2A0]  }
0x39: {  	[tilespmem:s26+$0xCA20] =	vst v2;
	v2 =	vld [tilespmem:s26+$0x2B0]  }
0x3a: {  	[tilespmem:s26+$0xCA30] =	vst v3;
	v3 =	vld [tilespmem:s26+$0x300]  }
0x3b: {  	[tilespmem:s26+$0xCA80] =	vst v4;
	v4 =	vld [tilespmem:s26+$0x310]  }
.Ltmp0:
0x3c: {  	[tilespmem:s26+$0xCA90] =	vst v0;
	v0 =	vld [tilespmem:s26+$0x320];
	(pc) =	sbr.rel @p1 .LBB2_3-.Ltmp0, $4  }
0x3d: {  	[tilespmem:s26+$0xCAA0] =	vst v1;
	v1 =	vld [tilespmem:s26+$0x330]  }
0x3e: {  	[tilespmem:s26+$0xCAB0] =	vst v2;
	v2 =	vld [tilespmem:s26+$0x380]  }
0x3f: {  	[tilespmem:s26+$0xCB00] =	vst v3;
	v3 =	vld [tilespmem:s26+$0x390]  }
0x40: {  	s28 =	sshra.s32 s29, $0x2;
	s29 =	sadd.s32 $0x800, s29;
	[tilespmem:s26+$0xCB10] =	vst v4;
	v4 =	vld [tilespmem:s26+$0x3A0]  }
0x41: {  	v5 =	vld [tilespmem:s28+$0x3B0];
	[tilespmem:s26+$0xCB20] =	vst v0  }
0x42: {  	v0 =	vld [tilespmem:s28+$0x200];
	[tilespmem:s26+$0xCB30] =	vst v1  }
0x43: {  	v1 =	vld [tilespmem:s28+$0x210];
	[tilespmem:s26+$0xCB80] =	vst v2  }
0x44: {  	v2 =	vld [tilespmem:s28+$0x220];
	[tilespmem:s26+$0xCB90] =	vst v3  }
0x45: {  	v3 =	vld [tilespmem:s28+$0x230];
	[tilespmem:s26+$0xCBA0] =	vst v4  }
0x46: {  	v4 =	vld [tilespmem:s28+$0x280];
	[tilespmem:s28+$0xCBB0] =	vst v5  }
0x47: {  	v54 =	vld [tilespmem:s28+$0x290];
	[tilespmem:s28+$0xCA00] =	vst v0  }
0x48: {  	v55 =	vld [tilespmem:s28+$0x2A0];
	[tilespmem:s28+$0xCA10] =	vst v1  }
0x49: {  	v56 =	vld [tilespmem:s28+$0x2B0];
	[tilespmem:s28+$0xCA20] =	vst v2  }
0x4a: {  	v57 =	vld [tilespmem:s28+$0x300];
	[tilespmem:s28+$0xCA30] =	vst v3  }
0x4b: {  	v58 =	vld [tilespmem:s28+$0x310];
	[tilespmem:s28+$0xCA80] =	vst v4  }
0x4c: {  	v59 =	vld [tilespmem:s28+$0x320];
	[tilespmem:s28+$0xCA90] =	vst v54  }
0x4d: {  	v60 =	vld [tilespmem:s28+$0x330];
	[tilespmem:s28+$0xCAA0] =	vst v55  }
0x4e: {  	v61 =	vld [tilespmem:s28+$0x380];
	[tilespmem:s28+$0xCAB0] =	vst v56  }
0x4f: {  	v62 =	vld [tilespmem:s28+$0x390];
	[tilespmem:s28+$0xCB00] =	vst v57  }
0x50: {  	v63 =	vld [tilespmem:s28+$0x3A0];
	[tilespmem:s28+$0xCB10] =	vst v58  }
0x51: {  	p1 =	sne.s32 s23, $0xFF;
	[tilespmem:s28+$0xCB20] =	vst v59  }
.Ltmp1:
0x52: {  	[tilespmem:s28+$0xCB30] =	vst v60;
	(pc) =	sbr.rel @p1 .LBB2_6-.Ltmp1, $4  }
0x53: {  	s31 =	sadd.s32 s3, s25;
	[tilespmem:s28+$0xCB80] =	vst v61  }
0x54: {  	s26 =	sshll.u32 s31, $0x4;
	[tilespmem:s28+$0xCB90] =	vst v62  }
0x55: {  	s26 =	sadd.s32 s6, s26;
	[tilespmem:s28+$0xCBA0] =	vst v63  }
0x56: {  	[hbm4b:s26+s2] =	stream.linear.scatter [tilespmem:s17], [sflag:$0x3], $0x6400, $0x38;
	[tilespmem:$0x19200] =	vst v63  }
.Ltmp2:
0x57: {  	(pc) =	sbr.rel .LBB2_7-.Ltmp2, $4  }
0x58: {  	_ = 	snop  }
0x59: {  	_ =	swait.ge [sflag:s18], $0x6400  }
0x5a: {  	[sflag:s18] =	ssyncset.done $0x0  }
0x5b: {  	[sflag:s18] =	ssyncadd.s32 $0xFFFF9C00  }
.LBB2_6:
0x5c: {  	s25 =	sadd.s32 s25, s9  }
0x5d: {  	s25 =	sshrl.u32 s25, $0x3  }
0x5e: {  	s25 =	sadd.s32 s4, s25  }
0x5f: {  	[tilespmem:s2], [sflag:$0x5] =	stream.linear.gather [hbm4b:s25+s2], $0xC8, $0x38;
	[tilespmem:$0x19200] =	vst v63  }
0x60: {  	_ =	swait.ge [sflag:s11], $0xC8  }
0x61: {  	[sflag:s11] =	ssyncset.done $0x0  }
.Ltmp3:
0x62: {  	[sflag:s11] =	ssyncadd.s32 $0xFFFFFF38;
	(pc) =	sbr.rel @p0 .LBB2_8-.Ltmp3, $4  }
0x63: {  	[tilespmem:s13], [sflag:$0x1] =	stream.indirect.gather [hbm4b:s5+s12], $0x80, s2, s12, $0xb8;
	[tilespmem:$0x19200] =	vst v63  }
0x64: {  	_ =	swait.ge [sflag:s18], $0x6400  }
0x65: {  	[sflag:s18] =	ssyncset.done $0x0  }
0x66: {  	[sflag:s18] =	ssyncadd.s32 $0xFFFF9C00  }
.LBB2_7:
0x67: {  	_ =	swait.ge [sflag:s19], $0x6400  }
0x68: {  	[sflag:s19] =	ssyncset.done $0x0  }
0x69: {  	[sflag:s19] =	ssyncadd.s32 $0xFFFF9C00  }
.LBB2_8:
0x6a: {  	s25 =	simm.s32 $0x0  }
0x6b: {  	v0 =	vld [tilespmem:s25+$0x67B0]  }
0x6c: {  	v1 =	vld [tilespmem:s25+$0x6600]  }
0x6d: {  	v2 =	vld [tilespmem:s25+$0x6610]  }
0x6e: {  	v3 =	vld [tilespmem:s25+$0x6620]  }
0x6f: {  	v4 =	vld [tilespmem:s25+$0x6630]  }
0x70: {  	v5 =	vld [tilespmem:s25+$0x6680];
	[tilespmem:s25+$0x12FB0] =	vst v0  }
0x71: {  	[tilespmem:s25+$0x12E00] =	vst v1;
	v0 =	vld [tilespmem:s25+$0x6690]  }
0x72: {  	[tilespmem:s25+$0x12E10] =	vst v2;
	v1 =	vld [tilespmem:s25+$0x66A0]  }
0x73: {  	[tilespmem:s25+$0x12E20] =	vst v3;
	v2 =	vld [tilespmem:s25+$0x66B0]  }
0x74: {  	[tilespmem:s25+$0x12E30] =	vst v4;
	v3 =	vld [tilespmem:s25+$0x6700]  }
0x75: {  	[tilespmem:s25+$0x12E80] =	vst v5;
	v4 =	vld [tilespmem:s25+$0x6710]  }
0x76: {  	[tilespmem:s25+$0x12E90] =	vst v0;
	v0 =	vld [tilespmem:s25+$0x6720]  }
0x77: {  	[tilespmem:s25+$0x12EA0] =	vst v1;
	v1 =	vld [tilespmem:s25+$0x6730]  }
0x78: {  	[tilespmem:s25+$0x12EB0] =	vst v2;
	v2 =	vld [tilespmem:s25+$0x6780]  }
0x79: {  	[tilespmem:s25+$0x12F00] =	vst v3;
	v3 =	vld [tilespmem:s25+$0x6790]  }
0x7a: {  	s23 =	sadd.s32 $0x1, s23;
	s26 =	simm.s32 $0x200;
	s28 =	simm.s32 $0x1000;
	[tilespmem:s25+$0x12F10] =	vst v4;
	v4 =	vld [tilespmem:s25+$0x67A0]  }
.LBB2_9:
0x7b: {  	p0 =	sne.s32 s28, $0x18800;
	v5 =	vld [tilespmem:s26+$0x67B0];
	[tilespmem:s25+$0x12F20] =	vst v0  }
0x7c: {  	v0 =	vld [tilespmem:s26+$0x6600];
	[tilespmem:s25+$0x12F30] =	vst v1  }
0x7d: {  	v1 =	vld [tilespmem:s26+$0x6610];
	[tilespmem:s25+$0x12F80] =	vst v2  }
0x7e: {  	v2 =	vld [tilespmem:s26+$0x6620];
	[tilespmem:s25+$0x12F90] =	vst v3  }
0x7f: {  	v3 =	vld [tilespmem:s26+$0x6630];
	[tilespmem:s25+$0x12FA0] =	vst v4;
	s25 =	smov.u32 s26  }
0x80: {  	v4 =	vld [tilespmem:s25+$0x6680];
	[tilespmem:s25+$0x12FB0] =	vst v5  }
0x81: {  	[tilespmem:s25+$0x12E00] =	vst v0;
	v0 =	vld [tilespmem:s25+$0x6690]  }
0x82: {  	[tilespmem:s25+$0x12E10] =	vst v1;
	v1 =	vld [tilespmem:s25+$0x66A0]  }
0x83: {  	[tilespmem:s25+$0x12E20] =	vst v2;
	v2 =	vld [tilespmem:s25+$0x66B0]  }
0x84: {  	[tilespmem:s25+$0x12E30] =	vst v3;
	v3 =	vld [tilespmem:s25+$0x6700]  }
0x85: {  	[tilespmem:s25+$0x12E80] =	vst v4;
	v4 =	vld [tilespmem:s25+$0x6710]  }
.Ltmp4:
0x86: {  	[tilespmem:s25+$0x12E90] =	vst v0;
	v0 =	vld [tilespmem:s25+$0x6720];
	(pc) =	sbr.rel @p0 .LBB2_9-.Ltmp4, $4  }
0x87: {  	[tilespmem:s25+$0x12EA0] =	vst v1;
	v1 =	vld [tilespmem:s25+$0x6730]  }
0x88: {  	[tilespmem:s25+$0x12EB0] =	vst v2;
	v2 =	vld [tilespmem:s25+$0x6780]  }
0x89: {  	[tilespmem:s25+$0x12F00] =	vst v3;
	v3 =	vld [tilespmem:s25+$0x6790]  }
0x8a: {  	s26 =	sshra.s32 s28, $0x2;
	s28 =	sadd.s32 $0x800, s28;
	[tilespmem:s25+$0x12F10] =	vst v4;
	v4 =	vld [tilespmem:s25+$0x67A0]  }
0x8b: {  	v5 =	vld [tilespmem:s26+$0x67B0];
	[tilespmem:s25+$0x12F20] =	vst v0  }
0x8c: {  	v0 =	vld [tilespmem:s26+$0x6600];
	[tilespmem:s25+$0x12F30] =	vst v1  }
0x8d: {  	v1 =	vld [tilespmem:s26+$0x6610];
	[tilespmem:s25+$0x12F80] =	vst v2  }
0x8e: {  	v2 =	vld [tilespmem:s26+$0x6620];
	[tilespmem:s25+$0x12F90] =	vst v3  }
0x8f: {  	v3 =	vld [tilespmem:s26+$0x6630];
	[tilespmem:s25+$0x12FA0] =	vst v4  }
0x90: {  	v4 =	vld [tilespmem:s26+$0x6680];
	[tilespmem:s26+$0x12FB0] =	vst v5  }
0x91: {  	v54 =	vld [tilespmem:s26+$0x6690];
	[tilespmem:s26+$0x12E00] =	vst v0  }
0x92: {  	v55 =	vld [tilespmem:s26+$0x66A0];
	[tilespmem:s26+$0x12E10] =	vst v1  }
0x93: {  	v56 =	vld [tilespmem:s26+$0x66B0];
	[tilespmem:s26+$0x12E20] =	vst v2  }
0x94: {  	v57 =	vld [tilespmem:s26+$0x6700];
	[tilespmem:s26+$0x12E30] =	vst v3  }
0x95: {  	v58 =	vld [tilespmem:s26+$0x6710];
	[tilespmem:s26+$0x12E80] =	vst v4  }
0x96: {  	v59 =	vld [tilespmem:s26+$0x6720];
	[tilespmem:s26+$0x12E90] =	vst v54  }
0x97: {  	v60 =	vld [tilespmem:s26+$0x6730];
	[tilespmem:s26+$0x12EA0] =	vst v55  }
0x98: {  	v61 =	vld [tilespmem:s26+$0x6780];
	[tilespmem:s26+$0x12EB0] =	vst v56  }
0x99: {  	v62 =	vld [tilespmem:s26+$0x6790];
	[tilespmem:s26+$0x12F00] =	vst v57  }
0x9a: {  	v63 =	vld [tilespmem:s26+$0x67A0];
	[tilespmem:s26+$0x12F10] =	vst v58  }
0x9b: {  	p0 =	sne.s32 s23, $0x100;
	[tilespmem:s26+$0x12F20] =	vst v59  }
.Ltmp5:
0x9c: {  	[tilespmem:s26+$0x12F30] =	vst v60;
	(pc) =	sbr.rel @p0 .LBB2_2-.Ltmp5, $4  }
0x9d: {  	[tilespmem:s26+$0x12F80] =	vst v61  }
0x9e: {  	s24 =	sshll.u32 s24, $0x4;
	[tilespmem:s26+$0x12F90] =	vst v62  }
0x9f: {  	s24 =	sadd.s32 s6, s24;
	[tilespmem:s26+$0x12FA0] =	vst v63  }
0xa0: {  	[hbm4b:s24+s2] =	stream.linear.scatter [tilespmem:s20], [sflag:$0x4], $0x6400, $0x38;
	[tilespmem:$0x19200] =	vst v63  }
0xa1: {  	s22 =	sadd.s32 $0x1, s22  }
0xa2: {  	_ =	swait.ge [sflag:s21], $0x6400;
	p0 =	sne.s32 s22, s10  }
.Ltmp6:
0xa3: {  	[sflag:s21] =	ssyncset.done $0x0;
	(pc) =	sbr.rel @p0 .LBB2_1-.Ltmp6, $4  }
0xa4: {  	[sflag:s21] =	ssyncadd.s32 $0xFFFF9C00  }
0xa5: {  	_ =	swait.ge [sflag:s19], $0x6400  }
0xa6: {  	[sflag:s19] =	ssyncset.done $0x0  }
0xa7: {  	[sflag:s19] =	ssyncadd.s32 $0xFFFF9C00  }
0xa8: {  	_ =	sfence.sel $0x180000  }
0xa9: {  	[bflag:$0x0] =	sbarrier.arrive $0xFFFF  }
0xaa: {  	p0 =	sne.s32 s0, $0x0;
	_ =	strace $0x90000047  }
0xab: {  	s0 =	sadd.s32 @!p0 $0x100000, s1;
	[bflag:$0x2] =	sbarrier.arrive $0xFFFF  }
0xac: {  	[sflag:s0] =	ssyncadd.tile.s32 @!p0 $0x1;
	_ =	shalt  }
.Lfunc_end2:
_tile_overlayer_lowered:
.L_overlay_start_2:
0xad: {  	(tag) =	ssettag $0x2  }
0xae: {  	s0 =	rddreg [dreg:$0x0];
	s2 =	stileid.u32  }
0xaf: {  	s1 =	rddreg [dreg:$0x1];
	p0 =	sne.s32 s2, $0x0  }
0xb0: {  	s3 =	rddreg [dreg:$0x2];
	[bflag:$0x3] =	sbarrier.arrive $0xFFFF;
	s2 =	simm.s32 @!p0 $0x1C05  }
0xb1: {  	[timem:s3], [sflag:s2] =	dma.local @!p0 [hbm:s0], s1  }
0xb2: {  	s0 =	simm.s32 @!p0 $0x5  }
0xb3: {  	_ =	swait.ge @!p0 [sflag:s0], s1  }
0xb4: {  	s1 =	ssub.s32 @!p0 $0x0, s1;
	[sflag:s0] =	ssyncset.done @!p0 $0x0  }
0xb5: {  	[sflag:s0] =	ssyncadd.s32 @!p0 s1  }
0xb6: {  	[bflag:$0x3] =	sbarrier.arrive $0xFFFF  }
0xb7: {  	_ =	shalt  }

// kernel: sparse-core-data-format-call.cloned.1.call-start
scs
called_computation_lowered:
.L_overlay_start_0:
0x0: {  	s2 =	sld [smem:$0x3FD9]  }
0x1: {  	s3 =	sld [smem:$0x3FFE];
	_ =	sdelay $0x1  }
0x2: {  	s1 =	srdreg.scid  }
0x3: {  	s0 =	sand.u32 $0x1, s1  }
0x4: {  	s18 =	sshll.u32 s0, $0xA;
	s2 =	sadd.s32 s3, s2  }
0x5: {  	s2 =	sadd.s32 s2, s18  }
0x6: {  	[smem:$0x3FC6] =	sst s2  }
0x7: {  	_ = 	snop  }
0x8: {  	s2 =	sld [smem:$0x3FD0];
	(tm) =	ssettm $0x1  }
0x9: {  	s19 =	sld [smem:$0x3FFB];
	_ =	sdelay $0x3  }
0xa: {  	_ =	strace s19  }
0xb: {  	s3 =	sld [smem:$0x3FFC];
	_ =	sdelay $0x3  }
0xc: {  	_ =	strace s3  }
0xd: {  	s3 =	sld [smem:$0x3FFD];
	_ =	sdelay $0x3  }
0xe: {  	_ =	strace s3  }
0xf: {  	_ =	strace $0x8FFFFFFF  }
0x10: {  	s20 =	sld [smem:$0x3FDB];
	_ =	sdelay $0x1  }
0x11: {  	s4 =	simm.s32 $_scs_section_size  }
0x12: {  	s5 =	simm.s32 $_size__tile_overlayer_lowered;
	s6 =	simm.s32 $_tile_overlayer_lowered  }
0x13: {  	s23 =	simm.s32 $0x1BFF;
	s22 =	sshll.u32 s6, $0x1;
	s3 =	sadd.s32 s4, s20  }
0x14: {  	s7 =	simm.s32 $0x0;
	s21 =	sshll.u32 s5, $0x1;
	s5 =	sadd.s32 s22, s3  }
0x15: {  	[timem:s7], [sflag:s23] =	dma.local [hbm:s5], s21  }
0x16: {  	_ =	swait.ge [sflag:s23], s21  }
0x17: {  	s4 =	ssub.s32 $0x0, s21;
	[sflag:s23] =	ssyncset.done $0x0  }
0x18: {  	[sflag:s23] =	ssyncadd.s32 s4;
	_ =	sdelay $0x1  }
0x19: {  	s24 =	simm.s32 $0x1B8B  }
0x1a: {  	_ =	swait.ge [sflag:s24], $0x1  }
0x1b: {  	[sflag:s24] =	ssyncset.done $0x0  }
0x1c: {  	s26 =	simm.s32 $0x1B8E;
	s25 =	sld [smem:$0x3FFE];
	[sflag:s24] =	ssyncadd.s32 $0xFFFFFFFF  }
0x1d: {  	s27 =	simm.s32 $execute0_lowered;
	[smem:$0x3FD2] =	sst s26  }
0x1e: {  	s5 =	sshll.u32 s27, $0x1;
	_ =	strace $0x80000049;
	[dreg:$0x1] =	wrdreg $0xFFFFFFFF  }
0x1f: {  	s28 =	simm.s32 $_size_execute0_lowered;
	s3 =	sadd.s32 s3, s5;
	[dreg:$0x0] =	wrdreg $0x0  }
0x20: {  	s5 =	sshll.u32 s28, $0x1;
	[dreg:$0x2] =	wrdreg s3  }
0x21: {  	[dreg:$0x3] =	wrdreg s5  }
0x22: {  	[dreg:$0x4] =	wrdreg $0xC0  }
0x23: {  	_ =	task [dreg:s7], $0x5FFFF  }
0x24: {  	[dreg:$0x1] =	wrdreg $0xFFFFFFFF  }
0x25: {  	[dreg:$0x0] =	wrdreg $0x60  }
0x26: {  	[dreg:$0x2] =	wrdreg s25  }
0x27: {  	[dreg:$0x3] =	wrdreg s2  }
0x28: {  	[dreg:$0x4] =	wrdreg $0x9  }
0x29: {  	_ =	task.clear_ibuf [dreg:s7], $0x5FFFF;
	_ =	strace $0x90000049  }
0x2a: {  	s29 =	simm.s32 $0x9;
	_ =	strace $0x8000004B  }
0x2b: {  	_ =	swait.ge [sflag:s29], $0x1  }
0x2c: {  	[sflag:s29] =	ssyncadd.s32 $0xFFFFFFFF  }
0x2d: {  	_ =	strace $0x9000004B  }
0x2e: {  	_ =	sfence  }
0x2f: {  	s30 =	sld [smem:$0x0];
	_ =	sdelay $0x2  }
0x30: {  	s31 =	sshll.u32 s1, $0xD;
	s1 =	sshrl.u32 s1, $0x2  }
0x31: {  	s3 =	sand.u32 $0x4000, s31;
	s1 =	sadd.s32 s1, s30  }
0x32: {  	s0 =	sor.u32 s3, s0;
	s1 =	sshll.u32 s1, $0x11  }
0x33: {  	s0 =	sor.u32 s1, s0  }
0x34: {  	s0 =	sadd.s32 $0x8F2B, s0  }
0x35: {  	[sflag:s0] =	ssyncadd.remote.s32 $0x1  }
0x36: {  	_ =	sfence.sel $0xFFFF  }
0x37: {  	[dreg:$0x0] =	wrdreg $0xFFFFFFFF;
	(pc) =	sbr.abs _section_cstart, $3  }
0x38: {  	[dreg:$0x1] =	wrdreg $0xFFFFFFFF  }
0x39: {  	_ =	task.clear_ibuf [dreg:s7], $0x2FFFF;
	_ =	strace $0x9FFFFFFF  }
0x3a: {  	(tm) =	ssettm $0x7FFFFFFF  }
0x3b: {  	_ =	shalt  }
tec
execute0_lowered:
.L_overlay_start_1:
0x0: {  	(tag) =	ssettag $0x1  }
0x1: {  	s0 =	srdreg.scid  }
0x2: {  	s1 =	sshll.u32 s0, $0x4  }
0x3: {  	s0 =	stileid.u32;
	s1 =	sand.u32 $0x10, s1  }
0x4: {  	s1 =	sor.u32 s0, s1  }
0x5: {  	s6 =	rddreg [dreg:$0x0];
	s4 =	simm.s32 $0x1;
	s2 =	sshll.u32 s1, $0x7  }
0x6: {  	s7 =	simm.s32 $0x2;
	s12 =	simm.s32 $0x0;
	s1 =	ssub.s32 $0x4000, s2  }
0x7: {  	s8 =	simm.s32 $0x20000;
	s13 =	simm.s32 $0x0;
	s3 =	sand.u32 $0xF80, s1  }
0x8: {  	s9 =	simm.s32 $0x0;
	s5 =	sshrl.u32 s1, $0xC;
	p0 =	sne.s32 s3, $0x0  }
.Ltmp0:
0x9: {  	s1 =	rddreg [dreg:$0x2];
	s4 =	simm.s32 @!p0 $0x0;
	(pc) =	sbr.rel .LBB1_1-.Ltmp0, $4  }
0xa: {  	s11 =	simm.s32 $0x0;
	s3 =	rddreg [dreg:$0x1];
	s5 =	sadd.s32 s4, s5  }
0xb: {  	_ =	strace $0x8000004A;
	s4 =	simm.s32 $0x1;
	s5 =	smul.u32 $0xC8, s5  }
0xc: {  	s6 =	sadd.s32 $0xFA6C00, s6;
	s10 =	smov.u32 s2;
	[sflag:s4] =	ssyncpa.u1 $0x0  }
0xd: {  	p0 =	por $0x0, $0x0;
	[sflag:s7] =	ssyncpa.u1 $0x0;
	s7 =	sor.u32 $0x1, s5  }
.LBB1_4:
0xe: {  	s16 =	sshll.u32 s13, $0x3;
	s17 =	sand.u32 $0x78, s13  }
0xf: {  	s30 =	sand.u32 $0x1F800, s13;
	s12 =	sshll.u32 s12, $0x11;
	s16 =	sand.u32 $0x3C00, s16  }
0x10: {  	[tilespmem:s15+$0x810 ss:$0x81] =	vst.msk $0xffff, v2;
	s31 =	sand.u32 $0x7, s13;
	s16 =	sor.u32 s17, s16;
	s17 =	sadd.s32 s3, s30  }
0x11: {  	[tilespmem:s15+$0x1020 ss:$0x81] =	vst.msk $0xffff, v0;
	s13 =	sshll.u32 s31, $0x12;
	s12 =	sadd.s32 s12, s17;
	s16 =	sshrl.u32 s16, $0x3  }
0x12: {  	[tilespmem:s15+$0x0 ss:$0x81] =	vst.msk $0xffff, v1;
	s13 =	sor.u32 $0x400, s13;
	s12 =	sadd.s32 s16, s12  }
0x13: {  	[hbm4b:s12+s13] =	stream.strided.scatter [tilespmem:s14], [sflag:$0x2], $0x2000, s8, s13, $0x20;
	[tilespmem:$0x8080] =	vst v63  }
.LBB1_5:
0x14: {  	s14 =	sadd.s32 $0x1, s9  }
0x15: {  	s12 =	sadd.s32 $0x1000, s10;
	s16 =	smov.u32 s10;
	p2 =	sgt.s32 s14, $0xC7  }
0x16: {  	s16 =	smov.u32 @p2 s12  }
0x17: {  	s14 =	simm.s32 @p2 $0x0;
	p2 =	sgt.s32 s16, $0x3FFF  }
0x18: {  	s16 =	smov.u32 @p2 s2;
	p2 =	sne.s32 s11, s7  }
.Ltmp1:
0x19: {  	p1 =	slt.u32 s11, $0x2;
	(pc) =	sbr.rel @!p2 .LBB1_6-.Ltmp1, $4  }
0x1a: {  	s15 =	simm.s32 @!p1 $0x2  }
0x1b: {  	s13 =	smov.u32 s10;
	p0 =	por !p0, !p0;
	_ =	swait.ge @!p1 [sflag:s15], $0x2000  }
0x1c: {  	s12 =	smov.u32 s9;
	[sflag:s15] =	ssyncset.done @!p1 $0x0;
	s9 =	smov.u32 s14  }
0x1d: {  	s11 =	sadd.s32 $0x1, s11;
	[sflag:s15] =	ssyncadd.s32 @!p1 $0xFFFFE000;
	s10 =	smov.u32 s16  }
.LBB1_1:
0x1e: {  	p1 =	sge.u32 s11, s5  }
0x1f: {  	s14 =	sand.u32 @!p1 $0x1FFFFFF, s9  }
0x20: {  	s15 =	smulhi.u32 @!p1 $0x147AE15, s14;
	_ =	sdelay $0x1  }
0x21: {  	s15 =	smul.u32 @!p1 $0xC8, s15  }
0x22: {  	s16 =	sxor.u32 @!p1 $0xFFFFFFFF, s11;
	s17 =	smul.u32 @!p1 $0xC80, s10  }
0x23: {  	s31 =	sadd.s32 $0xFFFFFFFF, s11;
	s16 =	sshll.u32 @!p1 s16, $0xD;
	s14 =	ssub.s32 @!p1 s14, s15  }
0x24: {  	s15 =	sand.u32 @!p1 $0x2000, s16;
	s16 =	sadd.s32 @!p1 s6, s17;
	s14 =	sshll.u32 @!p1 s14, $0x4  }
0x25: {  	s17 =	simm.s32 @!p1 $0x6400;
	s14 =	sadd.s32 @!p1 s14, s16;
	s16 =	simm.s32 @!p1 $0x40  }
0x26: {  	[tilespmem:s15], [sflag:$0x1] =	stream.strided.gather @!p1 [hbm4b:s14+s16], $0x2000, s17, s16, $0x38;
	[tilespmem:$0x8080] =	vst v63  }
0x27: {  	p1 =	sge.u32 s31, s5  }
.Ltmp2:
0x28: {  	_ = 	snop;
	(pc) =	sbr.rel @p1 .LBB1_5-.Ltmp2, $1  }
0x29: {  	_ =	sdelay $0x3  }
0x2a: {  	s14 =	simm.s32 $0x1  }
0x2b: {  	_ =	swait.ge [sflag:s4], $0x2000;
	s14 =	simm.s32 @!p0 $0x0  }
0x2c: {  	[sflag:s4] =	ssyncset.done $0x0;
	s15 =	sshll.u32 s14, $0xD  }
0x2d: {  	[sflag:s4] =	ssyncadd.s32 $0xFFFFE000;
	s18 =	sor.u32 $0x20, s15  }
0x2e: {  	s14 =	smul.u32 $0x8100, s14;
	v3 =	vld [tilespmem:s18+$0x10]  }
0x2f: {  	s30 =	sand.u32 $0x1, s11;
	v2 =	vld [tilespmem:s18+$0xFFFFFFF0]  }
0x30: {  	s15 =	smul.u32 $0x8100, s30;
	s14 =	sshrl.u32 s14, $0x2;
	v0 =	vld [tilespmem:s18+$0x0]  }
0x31: {  	v1 =	vld [tilespmem:s18+$0xFFFFFFE0];
	s16 =	sor.u32 $0x4000, s14  }
0x32: {  	s31 =	sshrl.u32 s15, $0x2;
	s15 =	sadd.s32 $0x0, s16  }
0x33: {  	s17 =	simm.s32 $0x4;
	s18 =	sadd.s32 $0x40, s18;
	s14 =	sor.u32 $0x4000, s31;
	[tilespmem:s15+$0x1830 ss:$0x81] =	vst.msk $0xffff, v3  }
.LBB1_3:
0x34: {  	v3 =	vld [tilespmem:s18+$0x10];
	p1 =	sne.s32 s17, $0x1FC;
	[tilespmem:s15+$0x810 ss:$0x81] =	vst.msk $0xffff, v2;
	s19 =	smov.u32 s17;
	s17 =	sadd.s32 $0x4, s17  }
.Ltmp3:
0x35: {  	v2 =	vld [tilespmem:s18+$0xFFFFFFF0];
	[tilespmem:s15+$0x1020 ss:$0x81] =	vst.msk $0xffff, v0;
	(pc) =	sbr.rel @p1 .LBB1_3-.Ltmp3, $4  }
0x36: {  	v0 =	vld [tilespmem:s18+$0x0];
	[tilespmem:s15+$0x0 ss:$0x81] =	vst.msk $0xffff, v1  }
0x37: {  	s15 =	sshra.s32 s19, $0x2;
	v1 =	vld [tilespmem:s18+$0xFFFFFFE0]  }
0x38: {  	s15 =	sadd.s32 s15, s16  }
0x39: {  	s18 =	sadd.s32 $0x40, s18;
	[tilespmem:s15+$0x1830 ss:$0x81] =	vst.msk $0xffff, v3  }
.Ltmp4:
0x3a: {  	_ = 	snop;
	(pc) =	sbr.rel .LBB1_4-.Ltmp4, $1  }
0x3b: {  	_ =	sdelay $0x3  }
.LBB1_6:
0x3c: {  	_ =	sfence.sel $0x180000  }
0x3d: {  	s2 =	simm.s32 $0x1;
	[bflag:$0x0] =	sbarrier.arrive $0xFFFF  }
0x3e: {  	s31 =	simm.s32 $0x2;
	[sflag:s2] =	ssyncpa.u1 $0x1  }
0x3f: {  	[sflag:s31] =	ssyncpa.u1 $0x1  }
0x40: {  	p0 =	sne.s32 s0, $0x0;
	_ =	strace $0x9000004A  }
0x41: {  	s0 =	sadd.s32 @!p0 $0x100000, s1;
	[bflag:$0x2] =	sbarrier.arrive $0xFFFF  }
0x42: {  	[sflag:s0] =	ssyncadd.tile.s32 @!p0 $0x1;
	_ =	shalt  }
.Lfunc_end1:
_tile_overlayer_lowered:
.L_overlay_start_2:
0x43: {  	(tag) =	ssettag $0x2  }
0x44: {  	s0 =	rddreg [dreg:$0x0];
	s2 =	stileid.u32  }
0x45: {  	s1 =	rddreg [dreg:$0x1];
	p0 =	sne.s32 s2, $0x0  }
0x46: {  	s3 =	rddreg [dreg:$0x2];
	[bflag:$0x3] =	sbarrier.arrive $0xFFFF;
	s2 =	simm.s32 @!p0 $0x1C01  }
0x47: {  	[timem:s3], [sflag:s2] =	dma.local @!p0 [hbm:s0], s1  }
0x48: {  	s0 =	simm.s32 @!p0 $0x1  }
0x49: {  	_ =	swait.ge @!p0 [sflag:s0], s1  }
0x4a: {  	s1 =	ssub.s32 @!p0 $0x0, s1;
	[sflag:s0] =	ssyncset.done @!p0 $0x0  }
0x4b: {  	[sflag:s0] =	ssyncadd.s32 @!p0 s1  }
0x4c: {  	[bflag:$0x3] =	sbarrier.arrive $0xFFFF  }
0x4d: {  	_ =	shalt  }

</sc_bundles>
